<compile_context>
chip_gen: v7x
topology: tpu7x:2x2x1
jax: 0.10.2.dev20260603
libtpu: 0.0.44.dev20260713+nightly
codegen_flags: <defaults>
</compile_context>

<pallas_src>
import functools

import jax
import jax.numpy as jnp
from jax import lax
from jax.experimental import pallas as pl
from jax.experimental.pallas import tpu as pltpu
from jax.experimental.pallas import tpu_sc as plsc

N = 10000
C = 128
E = 320000

NC = 2
NS = 16
NW = NC * NS
B = 128
NCHUNK = 2560
STAGE = 40
CPC0 = 120
CPC1 = 40
E_PAD = NCHUNK * B
N_PAD = 10240
STRIPE = N_PAD // NS

_mesh = plsc.VectorSubcoreMesh(core_axis_name="c", subcore_axis_name="s")


R = N_PAD // B
STRIPE_R = R // NS
CH = NCHUNK // NW


@functools.partial(
    pl.kernel,
    out_type=jax.ShapeDtypeStruct((NC, R, B), jnp.int32),
    mesh=_mesh,
    compiler_params=pltpu.CompilerParams(needs_layout_passes=False),
    scratch_types=[
        pltpu.VMEM((CH, B), jnp.int32),
        pltpu.VMEM((R, B), jnp.int32),
        pltpu.VMEM((R,), jnp.int32),
        pltpu.VMEM_SHARED((R, B), jnp.int32),
    ],
)
def _hist_kernel(col_hbm, out_hbm, col_v, hist_l, rows_v, hist_sh):
    cid = lax.axis_index("c")
    sid = lax.axis_index("s")
    wid = sid * NC + cid
    pltpu.sync_copy(col_hbm.at[pl.ds(wid * CH, CH)], col_v)

    zeros16 = jnp.zeros((16,), jnp.int32)

    def zbody(k, carry):
        hist_l[k >> 3, pl.ds((k & 7) * 16, 16)] = zeros16
        return carry

    lax.fori_loop(0, R * 8, zbody, 0)

    def ibody(i, carry):
        rows_v[pl.ds(i * 16, 16)] = lax.iota(jnp.int32, 16) + i * 16
        return carry

    lax.fori_loop(0, R // 16, ibody, 0)

    pltpu.sync_copy(hist_l.at[pl.ds(sid * STRIPE_R, STRIPE_R)],
                    hist_sh.at[pl.ds(sid * STRIPE_R, STRIPE_R)])

    ones16 = jnp.ones((16,), jnp.int32)

    def body(k, carry):
        idx = col_v[k >> 3, pl.ds((k & 7) * 16, 16)]
        hi = lax.shift_right_logical(idx, 7)
        lo = lax.bitwise_and(idx, 127)
        plsc.addupdate_scatter(hist_l, [hi, lo], ones16)
        return carry

    lax.fori_loop(0, CH * 8, body, 0)

    plsc.subcore_barrier()
    pltpu.sync_copy(hist_l, hist_sh.at[rows_v], add=True)
    plsc.subcore_barrier()

    @pl.when(sid < R // 8)
    def _():
        pltpu.sync_copy(hist_sh.at[pl.ds(sid * 8, 8)],
                        out_hbm.at[cid, pl.ds(sid * 8, 8)])


@functools.partial(
    pl.kernel,
    out_type=jax.ShapeDtypeStruct((NC, N_PAD, C), jnp.float32),
    mesh=_mesh,
    scratch_types=[
        pltpu.VMEM((STAGE, B), jnp.int32),
        pltpu.VMEM((STAGE, B), jnp.int32),
        pltpu.VMEM((B, C), jnp.float32),
        pltpu.VMEM((B, C), jnp.float32),
        pltpu.SemaphoreType.DMA,
        pltpu.SemaphoreType.DMA,
        pltpu.VMEM_SHARED((N_PAD, C), jnp.float32),
    ],
)
def _scatter_kernel(g_hbm, row_hbm, col_hbm, zeros_hbm, out_hbm,
                    row_v, col_v, gb0, gb1, sem0, sem1, acc_sh):
    cid = lax.axis_index("c")
    sid = lax.axis_index("s")
    pltpu.sync_copy(zeros_hbm.at[pl.ds(sid * STRIPE, STRIPE)],
                    acc_sh.at[pl.ds(sid * STRIPE, STRIPE)])
    plsc.subcore_barrier()

    bufs = (gb0, gb1)
    sems = (sem0, sem1)

    def _wait(b):
        pltpu.make_async_copy(g_hbm.at[pl.ds(0, B)], bufs[b], sems[b]).wait()

    def _run_stage(base):
        pltpu.sync_copy(row_hbm.at[pl.ds(base, STAGE)], row_v)
        pltpu.sync_copy(col_hbm.at[pl.ds(base, STAGE)], col_v)

        pltpu.async_copy(g_hbm.at[row_v.at[0]], gb0, sem0)
        pltpu.async_copy(g_hbm.at[row_v.at[1]], gb1, sem1)

        def body(k, carry):
            for u in range(2):
                j = 2 * k + u
                _wait(u)
                pltpu.sync_copy(bufs[u], acc_sh.at[col_v.at[j]], add=True)
                pltpu.async_copy(g_hbm.at[row_v.at[j + 2]], bufs[u], sems[u])
            return carry

        lax.fori_loop(0, STAGE // 2 - 1, body, 0)
        for u in range(2):
            _wait(u)
            pltpu.sync_copy(bufs[u], acc_sh.at[col_v.at[STAGE - 2 + u]], add=True)

    @pl.when(cid == 0)
    def _core0_work():
        for st in range(CPC0 // STAGE):
            _run_stage(sid * CPC0 + st * STAGE)

    @pl.when(cid == 1)
    def _core1_work():
        for st in range(CPC1 // STAGE):
            _run_stage(NS * CPC0 + sid * CPC1 + st * STAGE)

    plsc.subcore_barrier()
    pltpu.sync_copy(acc_sh.at[pl.ds(sid * STRIPE, STRIPE)],
                    out_hbm.at[cid, pl.ds(sid * STRIPE, STRIPE)])


_BLK = 1024


def _mm_body(x_ref, w_ref, h0_ref, h1_ref, g_ref, dis_ref):
    deg = (h0_ref[...] + h1_ref[...]).astype(jnp.float32) + 1.0
    dis = lax.rsqrt(deg)
    h = jnp.dot(x_ref[...], w_ref[...], preferred_element_type=jnp.float32)
    g_ref[...] = h * dis
    dis_ref[...] = dis


def _fin_body(g_ref, a0_ref, a1_ref, dis_ref, b_ref, pa_ref, o_ref):
    z = dis_ref[...] * (g_ref[...] + a0_ref[...] + a1_ref[...]) + b_ref[...]
    a = pa_ref[0, 0]
    o_ref[...] = jnp.where(z >= 0, z, a * z)


def kernel(x, edge_index, W, b, prelu_a):
    row = edge_index[0]
    col = edge_index[1]
    npad_e = E_PAD - E
    dummy_cols = N + jnp.arange(npad_e, dtype=col.dtype) % (N_PAD - N)
    row_p = jnp.pad(row, (0, npad_e)).reshape(NCHUNK, B)
    col_p = jnp.concatenate([col, dummy_cols]).reshape(NCHUNK, B)

    zeros_acc = jnp.zeros((N_PAD, C), jnp.float32)

    hist = _hist_kernel(col_p)
    h0 = hist[0].reshape(N_PAD, 1)
    h1 = hist[1].reshape(N_PAD, 1)

    x_pad = jnp.pad(x, ((0, N_PAD - N), (0, 0)))
    g, dis = pl.pallas_call(
        _mm_body,
        grid=(N_PAD // _BLK,),
        in_specs=[
            pl.BlockSpec((_BLK, C), lambda i: (i, 0)),
            pl.BlockSpec((C, C), lambda i: (0, 0)),
            pl.BlockSpec((_BLK, 1), lambda i: (i, 0)),
            pl.BlockSpec((_BLK, 1), lambda i: (i, 0)),
        ],
        out_specs=[
            pl.BlockSpec((_BLK, C), lambda i: (i, 0)),
            pl.BlockSpec((_BLK, 1), lambda i: (i, 0)),
        ],
        out_shape=[
            jax.ShapeDtypeStruct((N_PAD, C), jnp.float32),
            jax.ShapeDtypeStruct((N_PAD, 1), jnp.float32),
        ],
    )(x_pad, W, h0, h1)

    acc = _scatter_kernel(g, row_p, col_p, zeros_acc)

    out_full = pl.pallas_call(
        _fin_body,
        grid=(N_PAD // _BLK,),
        in_specs=[
            pl.BlockSpec((_BLK, C), lambda i: (i, 0)),
            pl.BlockSpec((_BLK, C), lambda i: (i, 0)),
            pl.BlockSpec((_BLK, C), lambda i: (i, 0)),
            pl.BlockSpec((_BLK, 1), lambda i: (i, 0)),
            pl.BlockSpec((1, C), lambda i: (0, 0)),
            pl.BlockSpec((1, 1), lambda i: (0, 0)),
        ],
        out_specs=pl.BlockSpec((_BLK, C), lambda i: (i, 0)),
        out_shape=jax.ShapeDtypeStruct((N_PAD, C), jnp.float32),
    )(g, acc[0], acc[1], dis, b.reshape(1, C),
      jnp.asarray(prelu_a, jnp.float32).reshape(1, 1))

    return out_full[:N]

# --- scband reference (transcript-rebuilt; emitter-appended) ---
"""Pipeline reference for scband-spatio-conv-layer-81836306858001 (READ-ONLY COPY).

The authoritative reference and input builder live on the scoring server;
editing this copy changes nothing except your own understanding.
"""

import jax, jax.numpy as jnp
import numpy as np

N = 10000
C_IN = 128
C_OUT = 128
E = 320000


def setup_inputs(seed: int = 0) -> dict:
    key = jax.random.key(seed)
    k1, k2, k3 = jax.random.split(key, 3)
    x = jax.random.normal(k1, (N, C_IN), dtype=jnp.float32)
    edge_index = jax.random.randint(k2, (2, E), 0, N, dtype=jnp.int32)
    # GCNConv linear weight (PyG stores [c_out, c_in]; we keep [c_in, c_out] for x @ W)
    W = jax.random.normal(k3, (C_IN, C_OUT), dtype=jnp.float32) * (1.0 / np.sqrt(C_IN))
    b = jnp.zeros((C_OUT,), dtype=jnp.float32)
    # PReLU learnable slope (scalar, torch default init 0.25)
    prelu_a = jnp.asarray(0.25, dtype=jnp.float32)
    return {"x": x, "edge_index": edge_index, "W": W, "b": b, "prelu_a": prelu_a}


def _gcn_conv(x, edge_index, W, b):
    # Faithful PyG GCNConv: add self-loops, symmetric normalization, linear, scatter-add
    n = x.shape[0]
    loops = jnp.arange(n, dtype=edge_index.dtype)
    ei = jnp.concatenate([edge_index, jnp.stack([loops, loops], axis=0)], axis=1)
    row, col = ei[0], ei[1]
    ones = jnp.ones((ei.shape[1],), dtype=x.dtype)
    deg = jax.ops.segment_sum(ones, col, num_segments=n)
    deg_inv_sqrt = jnp.where(deg > 0, jax.lax.rsqrt(deg), 0.0)
    norm = deg_inv_sqrt[row] * deg_inv_sqrt[col]
    h = x @ W
    msg = h[row] * norm[:, None]
    out = jax.ops.segment_sum(msg, col, num_segments=n)
    return out + b


def reference(x, edge_index, W, b, prelu_a):
    out = _gcn_conv(x, edge_index, W, b)
    # PReLU with scalar learnable slope
    return jnp.where(out >= 0, out, prelu_a * out)

if __name__ == "__main__":
    import jax
    _d = setup_inputs()
    print(jax.jit(kernel)(*tuple(_d.values())))

</pallas_src>

<mosaic_0001>
#map = affine_map<(d0, d1) -> (0, 0)>
#map1 = affine_map<(d0, d1) -> (0, 0, 0)>
module attributes {stable_mosaic.version = 14 : i64} {
  func.func @_hist_kernel(%arg0: i32, %arg1: i32, %arg2: memref<2560x128xi32, #tpu.memory_space<hbm>>, %arg3: memref<2x80x128xi32, #tpu.memory_space<hbm>>, %arg4: memref<80x128xi32, #tpu.memory_space<vmem>>, %arg5: memref<80x128xi32, #tpu.memory_space<vmem>>, %arg6: memref<80xi32, #tpu.memory_space<vmem>>, %arg7: memref<80x128xi32, #tpu.memory_space<vmem_shared>>) attributes {dimension_semantics = [#tpu.dimension_semantics<core_parallel>, #tpu.dimension_semantics<subcore_parallel>], iteration_bounds = array<i64: 2, 16>, scalar_prefetch = 0 : i64, scratch_operands = 4 : i64, tpu.core_type = #tpu.core_type<sc_vector_subcore>, window_params = [{transform_indices = #map}, {transform_indices = #map1}]} {
    %mul3A = arith.constant 2 : i32
    %mul3A_0 = arith.muli %arg1, %mul3A : i32
    %add3A = arith.addi %mul3A_0, %arg0 : i32
    %mul3A_1 = arith.constant 80 : i32
    %mul3A_2 = arith.muli %add3A, %mul3A_1 : i32
    "tpu.region"() ({
      %run_scoped3A = tpu.sem_alloc : memref<!tpu.dma_semaphore, #tpu.memory_space<semaphore_mem>>
      %dma_start3A = arith.constant 0 : i32
      %dma_start3A_30 = tpu.memref_slice %arg2[%mul3A_2, %dma_start3A] : memref<2560x128xi32, #tpu.memory_space<hbm>> -> memref<80x128xi32, #tpu.memory_space<hbm>>
      %dma_start3A_31 = arith.constant 0 : i32
      %dma_start3A_32 = tpu.memref_slice %arg2[%mul3A_2, %dma_start3A_31] : memref<2560x128xi32, #tpu.memory_space<hbm>> -> memref<80x128xi32, #tpu.memory_space<hbm>>
      tpu.enqueue_dma source(%dma_start3A_32 : memref<80x128xi32, #tpu.memory_space<hbm>>) target(%arg4 : memref<80x128xi32, #tpu.memory_space<vmem>>) target_semaphore(%run_scoped3A : memref<!tpu.dma_semaphore, #tpu.memory_space<semaphore_mem>>)
      %dma_wait3A = arith.constant 0 : i32
      %dma_wait3A_33 = tpu.memref_slice %arg2[%mul3A_2, %dma_wait3A] : memref<2560x128xi32, #tpu.memory_space<hbm>> -> memref<80x128xi32, #tpu.memory_space<hbm>>
      %dma_wait3A_34 = arith.constant 0 : i32
      %dma_wait3A_35 = tpu.memref_slice %arg2[%mul3A_2, %dma_wait3A_34] : memref<2560x128xi32, #tpu.memory_space<hbm>> -> memref<80x128xi32, #tpu.memory_space<hbm>>
      tpu.wait_dma2 semaphore(%run_scoped3A : memref<!tpu.dma_semaphore, #tpu.memory_space<semaphore_mem>>) src(%dma_wait3A_35 : memref<80x128xi32, #tpu.memory_space<hbm>>) dst(%arg4 : memref<80x128xi32, #tpu.memory_space<vmem>>)
      tpu.yield
    }) : () -> ()
    %broadcast_in_dim3A = arith.constant 0 : i32
    %broadcast_in_dim3A_3 = vector.broadcast %broadcast_in_dim3A : i32 to vector<16xi32>
    %scan3A = arith.constant 0 : i32
    %scan3A_4 = arith.constant 0 : i32
    %scan3A_5 = arith.constant 640 : i32
    %scan3A_6 = arith.addi %scan3A_4, %scan3A_5 : i32
    %scan3A_7 = arith.constant 1 : i32
    scf.for %scan3A_30 = %scan3A_4 to %scan3A_6 step %scan3A_7  : i32 {
      %shift_right_arithmetic3A = arith.constant 3 : i32
      %shift_right_arithmetic3A_31 = arith.shrsi %scan3A_30, %shift_right_arithmetic3A : i32
      %and3A = arith.constant 7 : i32
      %and3A_32 = arith.andi %scan3A_30, %and3A : i32
      %mul3A_33 = arith.constant 16 : i32
      %mul3A_34 = arith.muli %and3A_32, %mul3A_33 : i32
      %swap3A = arith.index_cast %shift_right_arithmetic3A_31 : i32 to index
      %swap3A_35 = arith.index_cast %mul3A_34 : i32 to index
      %swap3A_36 = tpu.vector_load %arg5[%swap3A, %swap3A_35] {strides = array<i32>} : memref<80x128xi32, #tpu.memory_space<vmem>>, vector<16xi32>,
      tpu.vector_store %arg5[%swap3A, %swap3A_35], %broadcast_in_dim3A_3 {strides = array<i32>} : memref<80x128xi32, #tpu.memory_space<vmem>>, vector<16xi32>,
    }
    %scan3A_8 = arith.constant 640 : i32
    %scan3A_9 = arith.constant 0 : i32
    %scan3A_10 = arith.constant 0 : i32
    %scan3A_11 = arith.constant 5 : i32
    %scan3A_12 = arith.addi %scan3A_10, %scan3A_11 : i32
    %scan3A_13 = arith.constant 1 : i32
    scf.for %scan3A_30 = %scan3A_10 to %scan3A_12 step %scan3A_13  : i32 {
      %iota3A = tpu.iota {dimensions = array<i32: 0>} : vector<16xi32>
      %mul3A_31 = arith.constant 16 : i32
      %mul3A_32 = arith.muli %scan3A_30, %mul3A_31 : i32
      %add3A_33 = vector.broadcast %mul3A_32 : i32 to vector<16xi32>
      %add3A_34 = arith.addi %iota3A, %add3A_33 : vector<16xi32>
      %mul3A_35 = arith.constant 16 : i32
      %mul3A_36 = arith.muli %scan3A_30, %mul3A_35 : i32
      %swap3A = arith.index_cast %mul3A_36 : i32 to index
      %swap3A_37 = tpu.vector_load %arg6[%swap3A] {strides = array<i32>} : memref<80xi32, #tpu.memory_space<vmem>>, vector<16xi32>,
      tpu.vector_store %arg6[%swap3A], %add3A_34 {strides = array<i32>} : memref<80xi32, #tpu.memory_space<vmem>>, vector<16xi32>,
    }
    %scan3A_14 = arith.constant 5 : i32
    %mul3A_15 = arith.constant 5 : i32
    %mul3A_16 = arith.muli %arg1, %mul3A_15 : i32
    %mul3A_17 = arith.constant 5 : i32
    %mul3A_18 = arith.muli %arg1, %mul3A_17 : i32
    "tpu.region"() ({
      %run_scoped3A = tpu.sem_alloc : memref<!tpu.dma_semaphore, #tpu.memory_space<semaphore_mem>>
      %dma_start3A = arith.constant 0 : i32
      %dma_start3A_30 = tpu.memref_slice %arg5[%mul3A_16, %dma_start3A] : memref<80x128xi32, #tpu.memory_space<vmem>> -> memref<5x128xi32, #tpu.memory_space<vmem>>
      %dma_start3A_31 = arith.constant 0 : i32
      %dma_start3A_32 = tpu.memref_slice %arg7[%mul3A_18, %dma_start3A_31] : memref<80x128xi32, #tpu.memory_space<vmem_shared>> -> memref<5x128xi32, #tpu.memory_space<vmem_shared>>
      %dma_start3A_33 = arith.constant 0 : i32
      %dma_start3A_34 = tpu.memref_slice %arg7[%mul3A_18, %dma_start3A_33] : memref<80x128xi32, #tpu.memory_space<vmem_shared>> -> memref<5x128xi32, #tpu.memory_space<vmem_shared>>
      %dma_start3A_35 = arith.constant 0 : i32
      %dma_start3A_36 = tpu.memref_slice %arg5[%mul3A_16, %dma_start3A_35] : memref<80x128xi32, #tpu.memory_space<vmem>> -> memref<5x128xi32, #tpu.memory_space<vmem>>
      tpu.enqueue_dma source(%dma_start3A_36 : memref<5x128xi32, #tpu.memory_space<vmem>>) target(%dma_start3A_34 : memref<5x128xi32, #tpu.memory_space<vmem_shared>>) target_semaphore(%run_scoped3A : memref<!tpu.dma_semaphore, #tpu.memory_space<semaphore_mem>>)
      %dma_wait3A = arith.constant 0 : i32
      %dma_wait3A_37 = tpu.memref_slice %arg5[%mul3A_16, %dma_wait3A] : memref<80x128xi32, #tpu.memory_space<vmem>> -> memref<5x128xi32, #tpu.memory_space<vmem>>
      %dma_wait3A_38 = arith.constant 0 : i32
      %dma_wait3A_39 = tpu.memref_slice %arg7[%mul3A_18, %dma_wait3A_38] : memref<80x128xi32, #tpu.memory_space<vmem_shared>> -> memref<5x128xi32, #tpu.memory_space<vmem_shared>>
      %dma_wait3A_40 = arith.constant 0 : i32
      %dma_wait3A_41 = tpu.memref_slice %arg7[%mul3A_18, %dma_wait3A_40] : memref<80x128xi32, #tpu.memory_space<vmem_shared>> -> memref<5x128xi32, #tpu.memory_space<vmem_shared>>
      %dma_wait3A_42 = arith.constant 0 : i32
      %dma_wait3A_43 = tpu.memref_slice %arg5[%mul3A_16, %dma_wait3A_42] : memref<80x128xi32, #tpu.memory_space<vmem>> -> memref<5x128xi32, #tpu.memory_space<vmem>>
      tpu.wait_dma2 semaphore(%run_scoped3A : memref<!tpu.dma_semaphore, #tpu.memory_space<semaphore_mem>>) src(%dma_wait3A_43 : memref<5x128xi32, #tpu.memory_space<vmem>>) dst(%dma_wait3A_41 : memref<5x128xi32, #tpu.memory_space<vmem_shared>>)
      tpu.yield
    }) : () -> ()
    %broadcast_in_dim3A_19 = arith.constant 1 : i32
    %broadcast_in_dim3A_20 = vector.broadcast %broadcast_in_dim3A_19 : i32 to vector<16xi32>
    %scan3A_21 = arith.constant 0 : i32
    %scan3A_22 = arith.constant 0 : i32
    %scan3A_23 = arith.constant 640 : i32
    %scan3A_24 = arith.addi %scan3A_22, %scan3A_23 : i32
    %scan3A_25 = arith.constant 1 : i32
    scf.for %scan3A_30 = %scan3A_22 to %scan3A_24 step %scan3A_25  : i32 {
      %shift_right_arithmetic3A = arith.constant 3 : i32
      %shift_right_arithmetic3A_31 = arith.shrsi %scan3A_30, %shift_right_arithmetic3A : i32
      %and3A = arith.constant 7 : i32
      %and3A_32 = arith.andi %scan3A_30, %and3A : i32
      %mul3A_33 = arith.constant 16 : i32
      %mul3A_34 = arith.muli %and3A_32, %mul3A_33 : i32
      %get3A = arith.index_cast %shift_right_arithmetic3A_31 : i32 to index
      %get3A_35 = arith.index_cast %mul3A_34 : i32 to index
      %get3A_36 = tpu.vector_load %arg4[%get3A, %get3A_35] {strides = array<i32>} : memref<80x128xi32, #tpu.memory_space<vmem>>, vector<16xi32>,
      %shift_right_logical3A = arith.constant 7 : i32
      %shift_right_logical3A_37 = vector.broadcast %shift_right_logical3A : i32 to vector<16xi32>
      %shift_right_logical3A_38 = arith.shrui %get3A_36, %shift_right_logical3A_37 : vector<16xi32>
      %and3A_39 = arith.constant 127 : i32
      %and3A_40 = vector.broadcast %and3A_39 : i32 to vector<16xi32>
      %and3A_41 = arith.andi %get3A_36, %and3A_40 : vector<16xi32>
      tpu.vector_store_idx %arg5[%shift_right_logical3A_38, %and3A_41], %broadcast_in_dim3A_20 {add = true} : memref<80x128xi32, #tpu.memory_space<vmem>>[vector<16xi32>, vector<16xi32>], vector<16xi32>,
    }
    %scan3A_26 = arith.constant 640 : i32
    %barrier3A = arith.constant 0 : index
    tpu.barrier barrier_id(%barrier3A)
    "tpu.region"() ({
      %run_scoped3A = tpu.sem_alloc : memref<!tpu.dma_semaphore, #tpu.memory_space<semaphore_mem>>
      %dma_start3A = arith.constant 0 : i32
      %dma_start3A_30 = arith.constant 0 : i32
      %dma_start3A_31 = tpu.memref_slice %arg7[%dma_start3A, %dma_start3A_30] : memref<80x128xi32, #tpu.memory_space<vmem_shared>> -> memref<80x128xi32, #tpu.memory_space<vmem_shared>>
      tpu.enqueue_indirect_dma source(%arg5 : memref<80x128xi32, #tpu.memory_space<vmem>>) target(%dma_start3A_31 : memref<80x128xi32, #tpu.memory_space<vmem_shared>>) offsets(%arg6 : memref<80xi32, #tpu.memory_space<vmem>>) semaphore(%run_scoped3A : memref<!tpu.dma_semaphore, #tpu.memory_space<semaphore_mem>>) {add = true}
      %dma_wait3A = arith.constant 0 : i32
      %dma_wait3A_32 = arith.constant 0 : i32
      %dma_wait3A_33 = tpu.memref_slice %arg7[%dma_wait3A, %dma_wait3A_32] : memref<80x128xi32, #tpu.memory_space<vmem_shared>> -> memref<80x128xi32, #tpu.memory_space<vmem_shared>>
      tpu.wait_indirect_dma semaphore(%run_scoped3A : memref<!tpu.dma_semaphore, #tpu.memory_space<semaphore_mem>>) src(%arg5 : memref<80x128xi32, #tpu.memory_space<vmem>>) dst(%dma_wait3A_33 : memref<80x128xi32, #tpu.memory_space<vmem_shared>>)
      tpu.yield
    }) : () -> ()
    %barrier3A_27 = arith.constant 0 : index
    tpu.barrier barrier_id(%barrier3A_27)
    %lt3A = arith.constant 10 : i32
    %lt3A_28 = arith.cmpi slt, %arg1, %lt3A : i32
    %convert_element_type3A = arith.extui %lt3A_28 : i1 to i32
    %cond3A = arith.constant 0 : i32
    %cond3A_29 = arith.cmpi ne, %convert_element_type3A, %cond3A : i32
    scf.if %cond3A_29 {
      %mul3A_30 = arith.constant 8 : i32
      %mul3A_31 = arith.muli %arg1, %mul3A_30 : i32
      %mul3A_32 = arith.constant 8 : i32
      %mul3A_33 = arith.muli %arg1, %mul3A_32 : i32
      "tpu.region"() ({
        %run_scoped3A = tpu.sem_alloc : memref<!tpu.dma_semaphore, #tpu.memory_space<semaphore_mem>>
        %dma_start3A = arith.constant 0 : i32
        %dma_start3A_34 = tpu.memref_slice %arg3[%arg0, %mul3A_33, %dma_start3A] : memref<2x80x128xi32, #tpu.memory_space<hbm>> -> memref<1x8x128xi32, #tpu.memory_space<hbm>>
        %dma_start3A_35 = tpu.memref_squeeze %dma_start3A_34 : memref<1x8x128xi32, #tpu.memory_space<hbm>> -> memref<8x128xi32, #tpu.memory_space<hbm>>
        %dma_start3A_36 = arith.constant 0 : i32
        %dma_start3A_37 = tpu.memref_slice %arg7[%mul3A_31, %dma_start3A_36] : memref<80x128xi32, #tpu.memory_space<vmem_shared>> -> memref<8x128xi32, #tpu.memory_space<vmem_shared>>
        tpu.enqueue_dma source(%dma_start3A_37 : memref<8x128xi32, #tpu.memory_space<vmem_shared>>) target(%dma_start3A_35 : memref<8x128xi32, #tpu.memory_space<hbm>>) target_semaphore(%run_scoped3A : memref<!tpu.dma_semaphore, #tpu.memory_space<semaphore_mem>>)
        %dma_wait3A = arith.constant 0 : i32
        %dma_wait3A_38 = tpu.memref_slice %arg3[%arg0, %mul3A_33, %dma_wait3A] : memref<2x80x128xi32, #tpu.memory_space<hbm>> -> memref<1x8x128xi32, #tpu.memory_space<hbm>>
        %dma_wait3A_39 = tpu.memref_squeeze %dma_wait3A_38 : memref<1x8x128xi32, #tpu.memory_space<hbm>> -> memref<8x128xi32, #tpu.memory_space<hbm>>
        %dma_wait3A_40 = arith.constant 0 : i32
        %dma_wait3A_41 = tpu.memref_slice %arg7[%mul3A_31, %dma_wait3A_40] : memref<80x128xi32, #tpu.memory_space<vmem_shared>> -> memref<8x128xi32, #tpu.memory_space<vmem_shared>>
        tpu.wait_dma2 semaphore(%run_scoped3A : memref<!tpu.dma_semaphore, #tpu.memory_space<semaphore_mem>>) src(%dma_wait3A_41 : memref<8x128xi32, #tpu.memory_space<vmem_shared>>) dst(%dma_wait3A_39 : memref<8x128xi32, #tpu.memory_space<hbm>>)
        tpu.yield
      }) : () -> ()
    } else {
    }
    return
  }
}

#map = affine_map<(d0, d1) -> (0, 0)>
#map1 = affine_map<(d0, d1) -> (0, 0, 0)>
module attributes {stable_mosaic.version = 14 : i64} {
  func.func @_scatter_kernel(%arg0: i32, %arg1: i32, %arg2: memref<10240x128xf32, #tpu.memory_space<hbm>>, %arg3: memref<2560x128xi32, #tpu.memory_space<hbm>>, %arg4: memref<2560x128xi32, #tpu.memory_space<hbm>>, %arg5: memref<10240x128xf32, #tpu.memory_space<hbm>>, %arg6: memref<2x10240x128xf32, #tpu.memory_space<hbm>>, %arg7: memref<40x128xi32, #tpu.memory_space<vmem>>, %arg8: memref<40x128xi32, #tpu.memory_space<vmem>>, %arg9: memref<128x128xf32, #tpu.memory_space<vmem>>, %arg10: memref<128x128xf32, #tpu.memory_space<vmem>>, %arg11: memref<!tpu.dma_semaphore, #tpu.memory_space<semaphore_mem>>, %arg12: memref<!tpu.dma_semaphore, #tpu.memory_space<semaphore_mem>>, %arg13: memref<10240x128xf32, #tpu.memory_space<vmem_shared>>) attributes {dimension_semantics = [#tpu.dimension_semantics<core_parallel>, #tpu.dimension_semantics<subcore_parallel>], iteration_bounds = array<i64: 2, 16>, scalar_prefetch = 0 : i64, scratch_operands = 7 : i64, tpu.core_type = #tpu.core_type<sc_vector_subcore>, window_params = [{transform_indices = #map}, {transform_indices = #map}, {transform_indices = #map}, {transform_indices = #map}, {transform_indices = #map1}]} {
    %mul3A = arith.constant 640 : i32
    %mul3A_0 = arith.muli %arg1, %mul3A : i32
    %mul3A_1 = arith.constant 640 : i32
    %mul3A_2 = arith.muli %arg1, %mul3A_1 : i32
    "tpu.region"() ({
      %run_scoped3A = tpu.sem_alloc : memref<!tpu.dma_semaphore, #tpu.memory_space<semaphore_mem>>
      %dma_start3A = arith.constant 0 : i32
      %dma_start3A_15 = tpu.memref_slice %arg13[%mul3A_2, %dma_start3A] : memref<10240x128xf32, #tpu.memory_space<vmem_shared>> -> memref<640x128xf32, #tpu.memory_space<vmem_shared>>
      %dma_start3A_16 = arith.constant 0 : i32
      %dma_start3A_17 = tpu.memref_slice %arg5[%mul3A_0, %dma_start3A_16] : memref<10240x128xf32, #tpu.memory_space<hbm>> -> memref<640x128xf32, #tpu.memory_space<hbm>>
      tpu.enqueue_dma source(%dma_start3A_17 : memref<640x128xf32, #tpu.memory_space<hbm>>) target(%dma_start3A_15 : memref<640x128xf32, #tpu.memory_space<vmem_shared>>) target_semaphore(%run_scoped3A : memref<!tpu.dma_semaphore, #tpu.memory_space<semaphore_mem>>)
      %dma_wait3A = arith.constant 0 : i32
      %dma_wait3A_18 = tpu.memref_slice %arg13[%mul3A_2, %dma_wait3A] : memref<10240x128xf32, #tpu.memory_space<vmem_shared>> -> memref<640x128xf32, #tpu.memory_space<vmem_shared>>
      %dma_wait3A_19 = arith.constant 0 : i32
      %dma_wait3A_20 = tpu.memref_slice %arg5[%mul3A_0, %dma_wait3A_19] : memref<10240x128xf32, #tpu.memory_space<hbm>> -> memref<640x128xf32, #tpu.memory_space<hbm>>
      tpu.wait_dma2 semaphore(%run_scoped3A : memref<!tpu.dma_semaphore, #tpu.memory_space<semaphore_mem>>) src(%dma_wait3A_20 : memref<640x128xf32, #tpu.memory_space<hbm>>) dst(%dma_wait3A_18 : memref<640x128xf32, #tpu.memory_space<vmem_shared>>)
      tpu.yield
    }) : () -> ()
    %barrier3A = arith.constant 0 : index
    tpu.barrier barrier_id(%barrier3A)
    %eq3A = arith.constant 0 : i32
    %eq3A_3 = arith.cmpi eq, %arg0, %eq3A : i32
    %convert_element_type3A = arith.extui %eq3A_3 : i1 to i32
    %cond3A = arith.constant 0 : i32
    %cond3A_4 = arith.cmpi ne, %convert_element_type3A, %cond3A : i32
    scf.if %cond3A_4 {
      %mul3A_15 = arith.constant 120 : i32
      %mul3A_16 = arith.muli %arg1, %mul3A_15 : i32
      %add3A = arith.constant 0 : i32
      %add3A_17 = arith.addi %mul3A_16, %add3A : i32
      "tpu.region"() ({
        %run_scoped3A_124 = tpu.sem_alloc : memref<!tpu.dma_semaphore, #tpu.memory_space<semaphore_mem>>
        %dma_start3A_125 = arith.constant 0 : i32
        %dma_start3A_126 = tpu.memref_slice %arg3[%add3A_17, %dma_start3A_125] : memref<2560x128xi32, #tpu.memory_space<hbm>> -> memref<40x128xi32, #tpu.memory_space<hbm>>
        %dma_start3A_127 = arith.constant 0 : i32
        %dma_start3A_128 = tpu.memref_slice %arg3[%add3A_17, %dma_start3A_127] : memref<2560x128xi32, #tpu.memory_space<hbm>> -> memref<40x128xi32, #tpu.memory_space<hbm>>
        tpu.enqueue_dma source(%dma_start3A_128 : memref<40x128xi32, #tpu.memory_space<hbm>>) target(%arg7 : memref<40x128xi32, #tpu.memory_space<vmem>>) target_semaphore(%run_scoped3A_124 : memref<!tpu.dma_semaphore, #tpu.memory_space<semaphore_mem>>)
        %dma_wait3A_129 = arith.constant 0 : i32
        %dma_wait3A_130 = tpu.memref_slice %arg3[%add3A_17, %dma_wait3A_129] : memref<2560x128xi32, #tpu.memory_space<hbm>> -> memref<40x128xi32, #tpu.memory_space<hbm>>
        %dma_wait3A_131 = arith.constant 0 : i32
        %dma_wait3A_132 = tpu.memref_slice %arg3[%add3A_17, %dma_wait3A_131] : memref<2560x128xi32, #tpu.memory_space<hbm>> -> memref<40x128xi32, #tpu.memory_space<hbm>>
        tpu.wait_dma2 semaphore(%run_scoped3A_124 : memref<!tpu.dma_semaphore, #tpu.memory_space<semaphore_mem>>) src(%dma_wait3A_132 : memref<40x128xi32, #tpu.memory_space<hbm>>) dst(%arg7 : memref<40x128xi32, #tpu.memory_space<vmem>>)
        tpu.yield
      }) : () -> ()
      "tpu.region"() ({
        %run_scoped3A_124 = tpu.sem_alloc : memref<!tpu.dma_semaphore, #tpu.memory_space<semaphore_mem>>
        %dma_start3A_125 = arith.constant 0 : i32
        %dma_start3A_126 = tpu.memref_slice %arg4[%add3A_17, %dma_start3A_125] : memref<2560x128xi32, #tpu.memory_space<hbm>> -> memref<40x128xi32, #tpu.memory_space<hbm>>
        %dma_start3A_127 = arith.constant 0 : i32
        %dma_start3A_128 = tpu.memref_slice %arg4[%add3A_17, %dma_start3A_127] : memref<2560x128xi32, #tpu.memory_space<hbm>> -> memref<40x128xi32, #tpu.memory_space<hbm>>
        tpu.enqueue_dma source(%dma_start3A_128 : memref<40x128xi32, #tpu.memory_space<hbm>>) target(%arg8 : memref<40x128xi32, #tpu.memory_space<vmem>>) target_semaphore(%run_scoped3A_124 : memref<!tpu.dma_semaphore, #tpu.memory_space<semaphore_mem>>)
        %dma_wait3A_129 = arith.constant 0 : i32
        %dma_wait3A_130 = tpu.memref_slice %arg4[%add3A_17, %dma_wait3A_129] : memref<2560x128xi32, #tpu.memory_space<hbm>> -> memref<40x128xi32, #tpu.memory_space<hbm>>
        %dma_wait3A_131 = arith.constant 0 : i32
        %dma_wait3A_132 = tpu.memref_slice %arg4[%add3A_17, %dma_wait3A_131] : memref<2560x128xi32, #tpu.memory_space<hbm>> -> memref<40x128xi32, #tpu.memory_space<hbm>>
        tpu.wait_dma2 semaphore(%run_scoped3A_124 : memref<!tpu.dma_semaphore, #tpu.memory_space<semaphore_mem>>) src(%dma_wait3A_132 : memref<40x128xi32, #tpu.memory_space<hbm>>) dst(%arg8 : memref<40x128xi32, #tpu.memory_space<vmem>>)
        tpu.yield
      }) : () -> ()
      %dma_start3A = arith.constant 0 : i32
      %dma_start3A_18 = arith.constant 0 : i32
      %dma_start3A_19 = tpu.memref_slice %arg7[%dma_start3A, %dma_start3A_18] : memref<40x128xi32, #tpu.memory_space<vmem>> -> memref<1x128xi32, #tpu.memory_space<vmem>>
      %dma_start3A_20 = tpu.memref_squeeze %dma_start3A_19 : memref<1x128xi32, #tpu.memory_space<vmem>> -> memref<128xi32, #tpu.memory_space<vmem>>
      %dma_start3A_21 = arith.constant 0 : i32
      %dma_start3A_22 = arith.constant 0 : i32
      %dma_start3A_23 = tpu.memref_slice %arg2[%dma_start3A_21, %dma_start3A_22] : memref<10240x128xf32, #tpu.memory_space<hbm>> -> memref<10240x128xf32, #tpu.memory_space<hbm>>
      tpu.enqueue_indirect_dma source(%dma_start3A_23 : memref<10240x128xf32, #tpu.memory_space<hbm>>) target(%arg9 : memref<128x128xf32, #tpu.memory_space<vmem>>) offsets(%dma_start3A_20 : memref<128xi32, #tpu.memory_space<vmem>>) semaphore(%arg11 : memref<!tpu.dma_semaphore, #tpu.memory_space<semaphore_mem>>)
      %dma_start3A_24 = arith.constant 1 : i32
      %dma_start3A_25 = arith.constant 0 : i32
      %dma_start3A_26 = tpu.memref_slice %arg7[%dma_start3A_24, %dma_start3A_25] : memref<40x128xi32, #tpu.memory_space<vmem>> -> memref<1x128xi32, #tpu.memory_space<vmem>>
      %dma_start3A_27 = tpu.memref_squeeze %dma_start3A_26 : memref<1x128xi32, #tpu.memory_space<vmem>> -> memref<128xi32, #tpu.memory_space<vmem>>
      %dma_start3A_28 = arith.constant 0 : i32
      %dma_start3A_29 = arith.constant 0 : i32
      %dma_start3A_30 = tpu.memref_slice %arg2[%dma_start3A_28, %dma_start3A_29] : memref<10240x128xf32, #tpu.memory_space<hbm>> -> memref<10240x128xf32, #tpu.memory_space<hbm>>
      tpu.enqueue_indirect_dma source(%dma_start3A_30 : memref<10240x128xf32, #tpu.memory_space<hbm>>) target(%arg10 : memref<128x128xf32, #tpu.memory_space<vmem>>) offsets(%dma_start3A_27 : memref<128xi32, #tpu.memory_space<vmem>>) semaphore(%arg12 : memref<!tpu.dma_semaphore, #tpu.memory_space<semaphore_mem>>)
      %scan3A = arith.constant 0 : i32
      %scan3A_31 = arith.constant 0 : i32
      %scan3A_32 = arith.constant 19 : i32
      %scan3A_33 = arith.addi %scan3A_31, %scan3A_32 : i32
      %scan3A_34 = arith.constant 1 : i32
      scf.for %scan3A_124 = %scan3A_31 to %scan3A_33 step %scan3A_34  : i32 {
        %mul3A_125 = arith.constant 2 : i32
        %mul3A_126 = arith.muli %mul3A_125, %scan3A_124 : i32
        %add3A_127 = arith.constant 0 : i32
        %add3A_128 = arith.addi %mul3A_126, %add3A_127 : i32
        %dma_wait3A_129 = arith.constant 0 : i32
        %dma_wait3A_130 = arith.constant 0 : i32
        %dma_wait3A_131 = tpu.memref_slice %arg2[%dma_wait3A_129, %dma_wait3A_130] : memref<10240x128xf32, #tpu.memory_space<hbm>> -> memref<128x128xf32, #tpu.memory_space<hbm>>
        %dma_wait3A_132 = arith.constant 0 : i32
        %dma_wait3A_133 = arith.constant 0 : i32
        %dma_wait3A_134 = tpu.memref_slice %arg2[%dma_wait3A_132, %dma_wait3A_133] : memref<10240x128xf32, #tpu.memory_space<hbm>> -> memref<128x128xf32, #tpu.memory_space<hbm>>
        tpu.wait_dma2 semaphore(%arg11 : memref<!tpu.dma_semaphore, #tpu.memory_space<semaphore_mem>>) src(%dma_wait3A_134 : memref<128x128xf32, #tpu.memory_space<hbm>>) dst(%arg9 : memref<128x128xf32, #tpu.memory_space<vmem>>)
        "tpu.region"() ({
          %run_scoped3A_161 = tpu.sem_alloc : memref<!tpu.dma_semaphore, #tpu.memory_space<semaphore_mem>>
          %dma_start3A_162 = arith.constant 0 : i32
          %dma_start3A_163 = tpu.memref_slice %arg8[%add3A_128, %dma_start3A_162] : memref<40x128xi32, #tpu.memory_space<vmem>> -> memref<1x128xi32, #tpu.memory_space<vmem>>
          %dma_start3A_164 = tpu.memref_squeeze %dma_start3A_163 : memref<1x128xi32, #tpu.memory_space<vmem>> -> memref<128xi32, #tpu.memory_space<vmem>>
          %dma_start3A_165 = arith.constant 0 : i32
          %dma_start3A_166 = arith.constant 0 : i32
          %dma_start3A_167 = tpu.memref_slice %arg13[%dma_start3A_165, %dma_start3A_166] : memref<10240x128xf32, #tpu.memory_space<vmem_shared>> -> memref<10240x128xf32, #tpu.memory_space<vmem_shared>>
          tpu.enqueue_indirect_dma source(%arg9 : memref<128x128xf32, #tpu.memory_space<vmem>>) target(%dma_start3A_167 : memref<10240x128xf32, #tpu.memory_space<vmem_shared>>) offsets(%dma_start3A_164 : memref<128xi32, #tpu.memory_space<vmem>>) semaphore(%run_scoped3A_161 : memref<!tpu.dma_semaphore, #tpu.memory_space<semaphore_mem>>) {add = true}
          %dma_wait3A_168 = arith.constant 0 : i32
          %dma_wait3A_169 = tpu.memref_slice %arg8[%add3A_128, %dma_wait3A_168] : memref<40x128xi32, #tpu.memory_space<vmem>> -> memref<1x128xi32, #tpu.memory_space<vmem>>
          %dma_wait3A_170 = tpu.memref_squeeze %dma_wait3A_169 : memref<1x128xi32, #tpu.memory_space<vmem>> -> memref<128xi32, #tpu.memory_space<vmem>>
          %dma_wait3A_171 = arith.constant 0 : i32
          %dma_wait3A_172 = arith.constant 0 : i32
          %dma_wait3A_173 = tpu.memref_slice %arg13[%dma_wait3A_171, %dma_wait3A_172] : memref<10240x128xf32, #tpu.memory_space<vmem_shared>> -> memref<10240x128xf32, #tpu.memory_space<vmem_shared>>
          tpu.wait_indirect_dma semaphore(%run_scoped3A_161 : memref<!tpu.dma_semaphore, #tpu.memory_space<semaphore_mem>>) src(%arg9 : memref<128x128xf32, #tpu.memory_space<vmem>>) dst(%dma_wait3A_173 : memref<10240x128xf32, #tpu.memory_space<vmem_shared>>)
          tpu.yield
        }) : () -> ()
        %add3A_135 = arith.constant 2 : i32
        %add3A_136 = arith.addi %add3A_128, %add3A_135 : i32
        %dma_start3A_137 = arith.constant 0 : i32
        %dma_start3A_138 = tpu.memref_slice %arg7[%add3A_136, %dma_start3A_137] : memref<40x128xi32, #tpu.memory_space<vmem>> -> memref<1x128xi32, #tpu.memory_space<vmem>>
        %dma_start3A_139 = tpu.memref_squeeze %dma_start3A_138 : memref<1x128xi32, #tpu.memory_space<vmem>> -> memref<128xi32, #tpu.memory_space<vmem>>
        %dma_start3A_140 = arith.constant 0 : i32
        %dma_start3A_141 = arith.constant 0 : i32
        %dma_start3A_142 = tpu.memref_slice %arg2[%dma_start3A_140, %dma_start3A_141] : memref<10240x128xf32, #tpu.memory_space<hbm>> -> memref<10240x128xf32, #tpu.memory_space<hbm>>
        tpu.enqueue_indirect_dma source(%dma_start3A_142 : memref<10240x128xf32, #tpu.memory_space<hbm>>) target(%arg9 : memref<128x128xf32, #tpu.memory_space<vmem>>) offsets(%dma_start3A_139 : memref<128xi32, #tpu.memory_space<vmem>>) semaphore(%arg11 : memref<!tpu.dma_semaphore, #tpu.memory_space<semaphore_mem>>)
        %mul3A_143 = arith.constant 2 : i32
        %mul3A_144 = arith.muli %mul3A_143, %scan3A_124 : i32
        %add3A_145 = arith.constant 1 : i32
        %add3A_146 = arith.addi %mul3A_144, %add3A_145 : i32
        %dma_wait3A_147 = arith.constant 0 : i32
        %dma_wait3A_148 = arith.constant 0 : i32
        %dma_wait3A_149 = tpu.memref_slice %arg2[%dma_wait3A_147, %dma_wait3A_148] : memref<10240x128xf32, #tpu.memory_space<hbm>> -> memref<128x128xf32, #tpu.memory_space<hbm>>
        %dma_wait3A_150 = arith.constant 0 : i32
        %dma_wait3A_151 = arith.constant 0 : i32
        %dma_wait3A_152 = tpu.memref_slice %arg2[%dma_wait3A_150, %dma_wait3A_151] : memref<10240x128xf32, #tpu.memory_space<hbm>> -> memref<128x128xf32, #tpu.memory_space<hbm>>
        tpu.wait_dma2 semaphore(%arg12 : memref<!tpu.dma_semaphore, #tpu.memory_space<semaphore_mem>>) src(%dma_wait3A_152 : memref<128x128xf32, #tpu.memory_space<hbm>>) dst(%arg10 : memref<128x128xf32, #tpu.memory_space<vmem>>)
        "tpu.region"() ({
          %run_scoped3A_161 = tpu.sem_alloc : memref<!tpu.dma_semaphore, #tpu.memory_space<semaphore_mem>>
          %dma_start3A_162 = arith.constant 0 : i32
          %dma_start3A_163 = tpu.memref_slice %arg8[%add3A_146, %dma_start3A_162] : memref<40x128xi32, #tpu.memory_space<vmem>> -> memref<1x128xi32, #tpu.memory_space<vmem>>
          %dma_start3A_164 = tpu.memref_squeeze %dma_start3A_163 : memref<1x128xi32, #tpu.memory_space<vmem>> -> memref<128xi32, #tpu.memory_space<vmem>>
          %dma_start3A_165 = arith.constant 0 : i32
          %dma_start3A_166 = arith.constant 0 : i32
          %dma_start3A_167 = tpu.memref_slice %arg13[%dma_start3A_165, %dma_start3A_166] : memref<10240x128xf32, #tpu.memory_space<vmem_shared>> -> memref<10240x128xf32, #tpu.memory_space<vmem_shared>>
          tpu.enqueue_indirect_dma source(%arg10 : memref<128x128xf32, #tpu.memory_space<vmem>>) target(%dma_start3A_167 : memref<10240x128xf32, #tpu.memory_space<vmem_shared>>) offsets(%dma_start3A_164 : memref<128xi32, #tpu.memory_space<vmem>>) semaphore(%run_scoped3A_161 : memref<!tpu.dma_semaphore, #tpu.memory_space<semaphore_mem>>) {add = true}
          %dma_wait3A_168 = arith.constant 0 : i32
          %dma_wait3A_169 = tpu.memref_slice %arg8[%add3A_146, %dma_wait3A_168] : memref<40x128xi32, #tpu.memory_space<vmem>> -> memref<1x128xi32, #tpu.memory_space<vmem>>
          %dma_wait3A_170 = tpu.memref_squeeze %dma_wait3A_169 : memref<1x128xi32, #tpu.memory_space<vmem>> -> memref<128xi32, #tpu.memory_space<vmem>>
          %dma_wait3A_171 = arith.constant 0 : i32
          %dma_wait3A_172 = arith.constant 0 : i32
          %dma_wait3A_173 = tpu.memref_slice %arg13[%dma_wait3A_171, %dma_wait3A_172] : memref<10240x128xf32, #tpu.memory_space<vmem_shared>> -> memref<10240x128xf32, #tpu.memory_space<vmem_shared>>
          tpu.wait_indirect_dma semaphore(%run_scoped3A_161 : memref<!tpu.dma_semaphore, #tpu.memory_space<semaphore_mem>>) src(%arg10 : memref<128x128xf32, #tpu.memory_space<vmem>>) dst(%dma_wait3A_173 : memref<10240x128xf32, #tpu.memory_space<vmem_shared>>)
          tpu.yield
        }) : () -> ()
        %add3A_153 = arith.constant 2 : i32
        %add3A_154 = arith.addi %add3A_146, %add3A_153 : i32
        %dma_start3A_155 = arith.constant 0 : i32
        %dma_start3A_156 = tpu.memref_slice %arg7[%add3A_154, %dma_start3A_155] : memref<40x128xi32, #tpu.memory_space<vmem>> -> memref<1x128xi32, #tpu.memory_space<vmem>>
        %dma_start3A_157 = tpu.memref_squeeze %dma_start3A_156 : memref<1x128xi32, #tpu.memory_space<vmem>> -> memref<128xi32, #tpu.memory_space<vmem>>
        %dma_start3A_158 = arith.constant 0 : i32
        %dma_start3A_159 = arith.constant 0 : i32
        %dma_start3A_160 = tpu.memref_slice %arg2[%dma_start3A_158, %dma_start3A_159] : memref<10240x128xf32, #tpu.memory_space<hbm>> -> memref<10240x128xf32, #tpu.memory_space<hbm>>
        tpu.enqueue_indirect_dma source(%dma_start3A_160 : memref<10240x128xf32, #tpu.memory_space<hbm>>) target(%arg10 : memref<128x128xf32, #tpu.memory_space<vmem>>) offsets(%dma_start3A_157 : memref<128xi32, #tpu.memory_space<vmem>>) semaphore(%arg12 : memref<!tpu.dma_semaphore, #tpu.memory_space<semaphore_mem>>)
      }
      %scan3A_35 = arith.constant 19 : i32
      %dma_wait3A = arith.constant 0 : i32
      %dma_wait3A_36 = arith.constant 0 : i32
      %dma_wait3A_37 = tpu.memref_slice %arg2[%dma_wait3A, %dma_wait3A_36] : memref<10240x128xf32, #tpu.memory_space<hbm>> -> memref<128x128xf32, #tpu.memory_space<hbm>>
      %dma_wait3A_38 = arith.constant 0 : i32
      %dma_wait3A_39 = arith.constant 0 : i32
      %dma_wait3A_40 = tpu.memref_slice %arg2[%dma_wait3A_38, %dma_wait3A_39] : memref<10240x128xf32, #tpu.memory_space<hbm>> -> memref<128x128xf32, #tpu.memory_space<hbm>>
      tpu.wait_dma2 semaphore(%arg11 : memref<!tpu.dma_semaphore, #tpu.memory_space<semaphore_mem>>) src(%dma_wait3A_40 : memref<128x128xf32, #tpu.memory_space<hbm>>) dst(%arg9 : memref<128x128xf32, #tpu.memory_space<vmem>>)
      %run_scoped3A = arith.constant 38 : i32
      "tpu.region"() ({
        %run_scoped3A_124 = tpu.sem_alloc : memref<!tpu.dma_semaphore, #tpu.memory_space<semaphore_mem>>
        %dma_start3A_125 = arith.constant 0 : i32
        %dma_start3A_126 = tpu.memref_slice %arg8[%run_scoped3A, %dma_start3A_125] : memref<40x128xi32, #tpu.memory_space<vmem>> -> memref<1x128xi32, #tpu.memory_space<vmem>>
        %dma_start3A_127 = tpu.memref_squeeze %dma_start3A_126 : memref<1x128xi32, #tpu.memory_space<vmem>> -> memref<128xi32, #tpu.memory_space<vmem>>
        %dma_start3A_128 = arith.constant 0 : i32
        %dma_start3A_129 = arith.constant 0 : i32
        %dma_start3A_130 = tpu.memref_slice %arg13[%dma_start3A_128, %dma_start3A_129] : memref<10240x128xf32, #tpu.memory_space<vmem_shared>> -> memref<10240x128xf32, #tpu.memory_space<vmem_shared>>
        tpu.enqueue_indirect_dma source(%arg9 : memref<128x128xf32, #tpu.memory_space<vmem>>) target(%dma_start3A_130 : memref<10240x128xf32, #tpu.memory_space<vmem_shared>>) offsets(%dma_start3A_127 : memref<128xi32, #tpu.memory_space<vmem>>) semaphore(%run_scoped3A_124 : memref<!tpu.dma_semaphore, #tpu.memory_space<semaphore_mem>>) {add = true}
        %dma_wait3A_131 = arith.constant 0 : i32
        %dma_wait3A_132 = tpu.memref_slice %arg8[%run_scoped3A, %dma_wait3A_131] : memref<40x128xi32, #tpu.memory_space<vmem>> -> memref<1x128xi32, #tpu.memory_space<vmem>>
        %dma_wait3A_133 = tpu.memref_squeeze %dma_wait3A_132 : memref<1x128xi32, #tpu.memory_space<vmem>> -> memref<128xi32, #tpu.memory_space<vmem>>
        %dma_wait3A_134 = arith.constant 0 : i32
        %dma_wait3A_135 = arith.constant 0 : i32
        %dma_wait3A_136 = tpu.memref_slice %arg13[%dma_wait3A_134, %dma_wait3A_135] : memref<10240x128xf32, #tpu.memory_space<vmem_shared>> -> memref<10240x128xf32, #tpu.memory_space<vmem_shared>>
        tpu.wait_indirect_dma semaphore(%run_scoped3A_124 : memref<!tpu.dma_semaphore, #tpu.memory_space<semaphore_mem>>) src(%arg9 : memref<128x128xf32, #tpu.memory_space<vmem>>) dst(%dma_wait3A_136 : memref<10240x128xf32, #tpu.memory_space<vmem_shared>>)
        tpu.yield
      }) : () -> ()
      %dma_wait3A_41 = arith.constant 0 : i32
      %dma_wait3A_42 = arith.constant 0 : i32
      %dma_wait3A_43 = tpu.memref_slice %arg2[%dma_wait3A_41, %dma_wait3A_42] : memref<10240x128xf32, #tpu.memory_space<hbm>> -> memref<128x128xf32, #tpu.memory_space<hbm>>
      %dma_wait3A_44 = arith.constant 0 : i32
      %dma_wait3A_45 = arith.constant 0 : i32
      %dma_wait3A_46 = tpu.memref_slice %arg2[%dma_wait3A_44, %dma_wait3A_45] : memref<10240x128xf32, #tpu.memory_space<hbm>> -> memref<128x128xf32, #tpu.memory_space<hbm>>
      tpu.wait_dma2 semaphore(%arg12 : memref<!tpu.dma_semaphore, #tpu.memory_space<semaphore_mem>>) src(%dma_wait3A_46 : memref<128x128xf32, #tpu.memory_space<hbm>>) dst(%arg10 : memref<128x128xf32, #tpu.memory_space<vmem>>)
      %run_scoped3A_47 = arith.constant 39 : i32
      "tpu.region"() ({
        %run_scoped3A_124 = tpu.sem_alloc : memref<!tpu.dma_semaphore, #tpu.memory_space<semaphore_mem>>
        %dma_start3A_125 = arith.constant 0 : i32
        %dma_start3A_126 = tpu.memref_slice %arg8[%run_scoped3A_47, %dma_start3A_125] : memref<40x128xi32, #tpu.memory_space<vmem>> -> memref<1x128xi32, #tpu.memory_space<vmem>>
        %dma_start3A_127 = tpu.memref_squeeze %dma_start3A_126 : memref<1x128xi32, #tpu.memory_space<vmem>> -> memref<128xi32, #tpu.memory_space<vmem>>
        %dma_start3A_128 = arith.constant 0 : i32
        %dma_start3A_129 = arith.constant 0 : i32
        %dma_start3A_130 = tpu.memref_slice %arg13[%dma_start3A_128, %dma_start3A_129] : memref<10240x128xf32, #tpu.memory_space<vmem_shared>> -> memref<10240x128xf32, #tpu.memory_space<vmem_shared>>
        tpu.enqueue_indirect_dma source(%arg10 : memref<128x128xf32, #tpu.memory_space<vmem>>) target(%dma_start3A_130 : memref<10240x128xf32, #tpu.memory_space<vmem_shared>>) offsets(%dma_start3A_127 : memref<128xi32, #tpu.memory_space<vmem>>) semaphore(%run_scoped3A_124 : memref<!tpu.dma_semaphore, #tpu.memory_space<semaphore_mem>>) {add = true}
        %dma_wait3A_131 = arith.constant 0 : i32
        %dma_wait3A_132 = tpu.memref_slice %arg8[%run_scoped3A_47, %dma_wait3A_131] : memref<40x128xi32, #tpu.memory_space<vmem>> -> memref<1x128xi32, #tpu.memory_space<vmem>>
        %dma_wait3A_133 = tpu.memref_squeeze %dma_wait3A_132 : memref<1x128xi32, #tpu.memory_space<vmem>> -> memref<128xi32, #tpu.memory_space<vmem>>
        %dma_wait3A_134 = arith.constant 0 : i32
        %dma_wait3A_135 = arith.constant 0 : i32
        %dma_wait3A_136 = tpu.memref_slice %arg13[%dma_wait3A_134, %dma_wait3A_135] : memref<10240x128xf32, #tpu.memory_space<vmem_shared>> -> memref<10240x128xf32, #tpu.memory_space<vmem_shared>>
        tpu.wait_indirect_dma semaphore(%run_scoped3A_124 : memref<!tpu.dma_semaphore, #tpu.memory_space<semaphore_mem>>) src(%arg10 : memref<128x128xf32, #tpu.memory_space<vmem>>) dst(%dma_wait3A_136 : memref<10240x128xf32, #tpu.memory_space<vmem_shared>>)
        tpu.yield
      }) : () -> ()
      %mul3A_48 = arith.constant 120 : i32
      %mul3A_49 = arith.muli %arg1, %mul3A_48 : i32
      %add3A_50 = arith.constant 40 : i32
      %add3A_51 = arith.addi %mul3A_49, %add3A_50 : i32
      "tpu.region"() ({
        %run_scoped3A_124 = tpu.sem_alloc : memref<!tpu.dma_semaphore, #tpu.memory_space<semaphore_mem>>
        %dma_start3A_125 = arith.constant 0 : i32
        %dma_start3A_126 = tpu.memref_slice %arg3[%add3A_51, %dma_start3A_125] : memref<2560x128xi32, #tpu.memory_space<hbm>> -> memref<40x128xi32, #tpu.memory_space<hbm>>
        %dma_start3A_127 = arith.constant 0 : i32
        %dma_start3A_128 = tpu.memref_slice %arg3[%add3A_51, %dma_start3A_127] : memref<2560x128xi32, #tpu.memory_space<hbm>> -> memref<40x128xi32, #tpu.memory_space<hbm>>
        tpu.enqueue_dma source(%dma_start3A_128 : memref<40x128xi32, #tpu.memory_space<hbm>>) target(%arg7 : memref<40x128xi32, #tpu.memory_space<vmem>>) target_semaphore(%run_scoped3A_124 : memref<!tpu.dma_semaphore, #tpu.memory_space<semaphore_mem>>)
        %dma_wait3A_129 = arith.constant 0 : i32
        %dma_wait3A_130 = tpu.memref_slice %arg3[%add3A_51, %dma_wait3A_129] : memref<2560x128xi32, #tpu.memory_space<hbm>> -> memref<40x128xi32, #tpu.memory_space<hbm>>
        %dma_wait3A_131 = arith.constant 0 : i32
        %dma_wait3A_132 = tpu.memref_slice %arg3[%add3A_51, %dma_wait3A_131] : memref<2560x128xi32, #tpu.memory_space<hbm>> -> memref<40x128xi32, #tpu.memory_space<hbm>>
        tpu.wait_dma2 semaphore(%run_scoped3A_124 : memref<!tpu.dma_semaphore, #tpu.memory_space<semaphore_mem>>) src(%dma_wait3A_132 : memref<40x128xi32, #tpu.memory_space<hbm>>) dst(%arg7 : memref<40x128xi32, #tpu.memory_space<vmem>>)
        tpu.yield
      }) : () -> ()
      "tpu.region"() ({
        %run_scoped3A_124 = tpu.sem_alloc : memref<!tpu.dma_semaphore, #tpu.memory_space<semaphore_mem>>
        %dma_start3A_125 = arith.constant 0 : i32
        %dma_start3A_126 = tpu.memref_slice %arg4[%add3A_51, %dma_start3A_125] : memref<2560x128xi32, #tpu.memory_space<hbm>> -> memref<40x128xi32, #tpu.memory_space<hbm>>
        %dma_start3A_127 = arith.constant 0 : i32
        %dma_start3A_128 = tpu.memref_slice %arg4[%add3A_51, %dma_start3A_127] : memref<2560x128xi32, #tpu.memory_space<hbm>> -> memref<40x128xi32, #tpu.memory_space<hbm>>
        tpu.enqueue_dma source(%dma_start3A_128 : memref<40x128xi32, #tpu.memory_space<hbm>>) target(%arg8 : memref<40x128xi32, #tpu.memory_space<vmem>>) target_semaphore(%run_scoped3A_124 : memref<!tpu.dma_semaphore, #tpu.memory_space<semaphore_mem>>)
        %dma_wait3A_129 = arith.constant 0 : i32
        %dma_wait3A_130 = tpu.memref_slice %arg4[%add3A_51, %dma_wait3A_129] : memref<2560x128xi32, #tpu.memory_space<hbm>> -> memref<40x128xi32, #tpu.memory_space<hbm>>
        %dma_wait3A_131 = arith.constant 0 : i32
        %dma_wait3A_132 = tpu.memref_slice %arg4[%add3A_51, %dma_wait3A_131] : memref<2560x128xi32, #tpu.memory_space<hbm>> -> memref<40x128xi32, #tpu.memory_space<hbm>>
        tpu.wait_dma2 semaphore(%run_scoped3A_124 : memref<!tpu.dma_semaphore, #tpu.memory_space<semaphore_mem>>) src(%dma_wait3A_132 : memref<40x128xi32, #tpu.memory_space<hbm>>) dst(%arg8 : memref<40x128xi32, #tpu.memory_space<vmem>>)
        tpu.yield
      }) : () -> ()
      %dma_start3A_52 = arith.constant 0 : i32
      %dma_start3A_53 = arith.constant 0 : i32
      %dma_start3A_54 = tpu.memref_slice %arg7[%dma_start3A_52, %dma_start3A_53] : memref<40x128xi32, #tpu.memory_space<vmem>> -> memref<1x128xi32, #tpu.memory_space<vmem>>
      %dma_start3A_55 = tpu.memref_squeeze %dma_start3A_54 : memref<1x128xi32, #tpu.memory_space<vmem>> -> memref<128xi32, #tpu.memory_space<vmem>>
      %dma_start3A_56 = arith.constant 0 : i32
      %dma_start3A_57 = arith.constant 0 : i32
      %dma_start3A_58 = tpu.memref_slice %arg2[%dma_start3A_56, %dma_start3A_57] : memref<10240x128xf32, #tpu.memory_space<hbm>> -> memref<10240x128xf32, #tpu.memory_space<hbm>>
      tpu.enqueue_indirect_dma source(%dma_start3A_58 : memref<10240x128xf32, #tpu.memory_space<hbm>>) target(%arg9 : memref<128x128xf32, #tpu.memory_space<vmem>>) offsets(%dma_start3A_55 : memref<128xi32, #tpu.memory_space<vmem>>) semaphore(%arg11 : memref<!tpu.dma_semaphore, #tpu.memory_space<semaphore_mem>>)
      %dma_start3A_59 = arith.constant 1 : i32
      %dma_start3A_60 = arith.constant 0 : i32
      %dma_start3A_61 = tpu.memref_slice %arg7[%dma_start3A_59, %dma_start3A_60] : memref<40x128xi32, #tpu.memory_space<vmem>> -> memref<1x128xi32, #tpu.memory_space<vmem>>
      %dma_start3A_62 = tpu.memref_squeeze %dma_start3A_61 : memref<1x128xi32, #tpu.memory_space<vmem>> -> memref<128xi32, #tpu.memory_space<vmem>>
      %dma_start3A_63 = arith.constant 0 : i32
      %dma_start3A_64 = arith.constant 0 : i32
      %dma_start3A_65 = tpu.memref_slice %arg2[%dma_start3A_63, %dma_start3A_64] : memref<10240x128xf32, #tpu.memory_space<hbm>> -> memref<10240x128xf32, #tpu.memory_space<hbm>>
      tpu.enqueue_indirect_dma source(%dma_start3A_65 : memref<10240x128xf32, #tpu.memory_space<hbm>>) target(%arg10 : memref<128x128xf32, #tpu.memory_space<vmem>>) offsets(%dma_start3A_62 : memref<128xi32, #tpu.memory_space<vmem>>) semaphore(%arg12 : memref<!tpu.dma_semaphore, #tpu.memory_space<semaphore_mem>>)
      %scan3A_66 = arith.constant 0 : i32
      %scan3A_67 = arith.constant 0 : i32
      %scan3A_68 = arith.constant 19 : i32
      %scan3A_69 = arith.addi %scan3A_67, %scan3A_68 : i32
      %scan3A_70 = arith.constant 1 : i32
      scf.for %scan3A_124 = %scan3A_67 to %scan3A_69 step %scan3A_70  : i32 {
        %mul3A_125 = arith.constant 2 : i32
        %mul3A_126 = arith.muli %mul3A_125, %scan3A_124 : i32
        %add3A_127 = arith.constant 0 : i32
        %add3A_128 = arith.addi %mul3A_126, %add3A_127 : i32
        %dma_wait3A_129 = arith.constant 0 : i32
        %dma_wait3A_130 = arith.constant 0 : i32
        %dma_wait3A_131 = tpu.memref_slice %arg2[%dma_wait3A_129, %dma_wait3A_130] : memref<10240x128xf32, #tpu.memory_space<hbm>> -> memref<128x128xf32, #tpu.memory_space<hbm>>
        %dma_wait3A_132 = arith.constant 0 : i32
        %dma_wait3A_133 = arith.constant 0 : i32
        %dma_wait3A_134 = tpu.memref_slice %arg2[%dma_wait3A_132, %dma_wait3A_133] : memref<10240x128xf32, #tpu.memory_space<hbm>> -> memref<128x128xf32, #tpu.memory_space<hbm>>
        tpu.wait_dma2 semaphore(%arg11 : memref<!tpu.dma_semaphore, #tpu.memory_space<semaphore_mem>>) src(%dma_wait3A_134 : memref<128x128xf32, #tpu.memory_space<hbm>>) dst(%arg9 : memref<128x128xf32, #tpu.memory_space<vmem>>)
        "tpu.region"() ({
          %run_scoped3A_161 = tpu.sem_alloc : memref<!tpu.dma_semaphore, #tpu.memory_space<semaphore_mem>>
          %dma_start3A_162 = arith.constant 0 : i32
          %dma_start3A_163 = tpu.memref_slice %arg8[%add3A_128, %dma_start3A_162] : memref<40x128xi32, #tpu.memory_space<vmem>> -> memref<1x128xi32, #tpu.memory_space<vmem>>
          %dma_start3A_164 = tpu.memref_squeeze %dma_start3A_163 : memref<1x128xi32, #tpu.memory_space<vmem>> -> memref<128xi32, #tpu.memory_space<vmem>>
          %dma_start3A_165 = arith.constant 0 : i32
          %dma_start3A_166 = arith.constant 0 : i32
          %dma_start3A_167 = tpu.memref_slice %arg13[%dma_start3A_165, %dma_start3A_166] : memref<10240x128xf32, #tpu.memory_space<vmem_shared>> -> memref<10240x128xf32, #tpu.memory_space<vmem_shared>>
          tpu.enqueue_indirect_dma source(%arg9 : memref<128x128xf32, #tpu.memory_space<vmem>>) target(%dma_start3A_167 : memref<10240x128xf32, #tpu.memory_space<vmem_shared>>) offsets(%dma_start3A_164 : memref<128xi32, #tpu.memory_space<vmem>>) semaphore(%run_scoped3A_161 : memref<!tpu.dma_semaphore, #tpu.memory_space<semaphore_mem>>) {add = true}
          %dma_wait3A_168 = arith.constant 0 : i32
          %dma_wait3A_169 = tpu.memref_slice %arg8[%add3A_128, %dma_wait3A_168] : memref<40x128xi32, #tpu.memory_space<vmem>> -> memref<1x128xi32, #tpu.memory_space<vmem>>
          %dma_wait3A_170 = tpu.memref_squeeze %dma_wait3A_169 : memref<1x128xi32, #tpu.memory_space<vmem>> -> memref<128xi32, #tpu.memory_space<vmem>>
          %dma_wait3A_171 = arith.constant 0 : i32
          %dma_wait3A_172 = arith.constant 0 : i32
          %dma_wait3A_173 = tpu.memref_slice %arg13[%dma_wait3A_171, %dma_wait3A_172] : memref<10240x128xf32, #tpu.memory_space<vmem_shared>> -> memref<10240x128xf32, #tpu.memory_space<vmem_shared>>
          tpu.wait_indirect_dma semaphore(%run_scoped3A_161 : memref<!tpu.dma_semaphore, #tpu.memory_space<semaphore_mem>>) src(%arg9 : memref<128x128xf32, #tpu.memory_space<vmem>>) dst(%dma_wait3A_173 : memref<10240x128xf32, #tpu.memory_space<vmem_shared>>)
          tpu.yield
        }) : () -> ()
        %add3A_135 = arith.constant 2 : i32
        %add3A_136 = arith.addi %add3A_128, %add3A_135 : i32
        %dma_start3A_137 = arith.constant 0 : i32
        %dma_start3A_138 = tpu.memref_slice %arg7[%add3A_136, %dma_start3A_137] : memref<40x128xi32, #tpu.memory_space<vmem>> -> memref<1x128xi32, #tpu.memory_space<vmem>>
        %dma_start3A_139 = tpu.memref_squeeze %dma_start3A_138 : memref<1x128xi32, #tpu.memory_space<vmem>> -> memref<128xi32, #tpu.memory_space<vmem>>
        %dma_start3A_140 = arith.constant 0 : i32
        %dma_start3A_141 = arith.constant 0 : i32
        %dma_start3A_142 = tpu.memref_slice %arg2[%dma_start3A_140, %dma_start3A_141] : memref<10240x128xf32, #tpu.memory_space<hbm>> -> memref<10240x128xf32, #tpu.memory_space<hbm>>
        tpu.enqueue_indirect_dma source(%dma_start3A_142 : memref<10240x128xf32, #tpu.memory_space<hbm>>) target(%arg9 : memref<128x128xf32, #tpu.memory_space<vmem>>) offsets(%dma_start3A_139 : memref<128xi32, #tpu.memory_space<vmem>>) semaphore(%arg11 : memref<!tpu.dma_semaphore, #tpu.memory_space<semaphore_mem>>)
        %mul3A_143 = arith.constant 2 : i32
        %mul3A_144 = arith.muli %mul3A_143, %scan3A_124 : i32
        %add3A_145 = arith.constant 1 : i32
        %add3A_146 = arith.addi %mul3A_144, %add3A_145 : i32
        %dma_wait3A_147 = arith.constant 0 : i32
        %dma_wait3A_148 = arith.constant 0 : i32
        %dma_wait3A_149 = tpu.memref_slice %arg2[%dma_wait3A_147, %dma_wait3A_148] : memref<10240x128xf32, #tpu.memory_space<hbm>> -> memref<128x128xf32, #tpu.memory_space<hbm>>
        %dma_wait3A_150 = arith.constant 0 : i32
        %dma_wait3A_151 = arith.constant 0 : i32
        %dma_wait3A_152 = tpu.memref_slice %arg2[%dma_wait3A_150, %dma_wait3A_151] : memref<10240x128xf32, #tpu.memory_space<hbm>> -> memref<128x128xf32, #tpu.memory_space<hbm>>
        tpu.wait_dma2 semaphore(%arg12 : memref<!tpu.dma_semaphore, #tpu.memory_space<semaphore_mem>>) src(%dma_wait3A_152 : memref<128x128xf32, #tpu.memory_space<hbm>>) dst(%arg10 : memref<128x128xf32, #tpu.memory_space<vmem>>)
        "tpu.region"() ({
          %run_scoped3A_161 = tpu.sem_alloc : memref<!tpu.dma_semaphore, #tpu.memory_space<semaphore_mem>>
          %dma_start3A_162 = arith.constant 0 : i32
          %dma_start3A_163 = tpu.memref_slice %arg8[%add3A_146, %dma_start3A_162] : memref<40x128xi32, #tpu.memory_space<vmem>> -> memref<1x128xi32, #tpu.memory_space<vmem>>
          %dma_start3A_164 = tpu.memref_squeeze %dma_start3A_163 : memref<1x128xi32, #tpu.memory_space<vmem>> -> memref<128xi32, #tpu.memory_space<vmem>>
          %dma_start3A_165 = arith.constant 0 : i32
          %dma_start3A_166 = arith.constant 0 : i32
          %dma_start3A_167 = tpu.memref_slice %arg13[%dma_start3A_165, %dma_start3A_166] : memref<10240x128xf32, #tpu.memory_space<vmem_shared>> -> memref<10240x128xf32, #tpu.memory_space<vmem_shared>>
          tpu.enqueue_indirect_dma source(%arg10 : memref<128x128xf32, #tpu.memory_space<vmem>>) target(%dma_start3A_167 : memref<10240x128xf32, #tpu.memory_space<vmem_shared>>) offsets(%dma_start3A_164 : memref<128xi32, #tpu.memory_space<vmem>>) semaphore(%run_scoped3A_161 : memref<!tpu.dma_semaphore, #tpu.memory_space<semaphore_mem>>) {add = true}
          %dma_wait3A_168 = arith.constant 0 : i32
          %dma_wait3A_169 = tpu.memref_slice %arg8[%add3A_146, %dma_wait3A_168] : memref<40x128xi32, #tpu.memory_space<vmem>> -> memref<1x128xi32, #tpu.memory_space<vmem>>
          %dma_wait3A_170 = tpu.memref_squeeze %dma_wait3A_169 : memref<1x128xi32, #tpu.memory_space<vmem>> -> memref<128xi32, #tpu.memory_space<vmem>>
          %dma_wait3A_171 = arith.constant 0 : i32
          %dma_wait3A_172 = arith.constant 0 : i32
          %dma_wait3A_173 = tpu.memref_slice %arg13[%dma_wait3A_171, %dma_wait3A_172] : memref<10240x128xf32, #tpu.memory_space<vmem_shared>> -> memref<10240x128xf32, #tpu.memory_space<vmem_shared>>
          tpu.wait_indirect_dma semaphore(%run_scoped3A_161 : memref<!tpu.dma_semaphore, #tpu.memory_space<semaphore_mem>>) src(%arg10 : memref<128x128xf32, #tpu.memory_space<vmem>>) dst(%dma_wait3A_173 : memref<10240x128xf32, #tpu.memory_space<vmem_shared>>)
          tpu.yield
        }) : () -> ()
        %add3A_153 = arith.constant 2 : i32
        %add3A_154 = arith.addi %add3A_146, %add3A_153 : i32
        %dma_start3A_155 = arith.constant 0 : i32
        %dma_start3A_156 = tpu.memref_slice %arg7[%add3A_154, %dma_start3A_155] : memref<40x128xi32, #tpu.memory_space<vmem>> -> memref<1x128xi32, #tpu.memory_space<vmem>>
        %dma_start3A_157 = tpu.memref_squeeze %dma_start3A_156 : memref<1x128xi32, #tpu.memory_space<vmem>> -> memref<128xi32, #tpu.memory_space<vmem>>
        %dma_start3A_158 = arith.constant 0 : i32
        %dma_start3A_159 = arith.constant 0 : i32
        %dma_start3A_160 = tpu.memref_slice %arg2[%dma_start3A_158, %dma_start3A_159] : memref<10240x128xf32, #tpu.memory_space<hbm>> -> memref<10240x128xf32, #tpu.memory_space<hbm>>
        tpu.enqueue_indirect_dma source(%dma_start3A_160 : memref<10240x128xf32, #tpu.memory_space<hbm>>) target(%arg10 : memref<128x128xf32, #tpu.memory_space<vmem>>) offsets(%dma_start3A_157 : memref<128xi32, #tpu.memory_space<vmem>>) semaphore(%arg12 : memref<!tpu.dma_semaphore, #tpu.memory_space<semaphore_mem>>)
      }
      %scan3A_71 = arith.constant 19 : i32
      %dma_wait3A_72 = arith.constant 0 : i32
      %dma_wait3A_73 = arith.constant 0 : i32
      %dma_wait3A_74 = tpu.memref_slice %arg2[%dma_wait3A_72, %dma_wait3A_73] : memref<10240x128xf32, #tpu.memory_space<hbm>> -> memref<128x128xf32, #tpu.memory_space<hbm>>
      %dma_wait3A_75 = arith.constant 0 : i32
      %dma_wait3A_76 = arith.constant 0 : i32
      %dma_wait3A_77 = tpu.memref_slice %arg2[%dma_wait3A_75, %dma_wait3A_76] : memref<10240x128xf32, #tpu.memory_space<hbm>> -> memref<128x128xf32, #tpu.memory_space<hbm>>
      tpu.wait_dma2 semaphore(%arg11 : memref<!tpu.dma_semaphore, #tpu.memory_space<semaphore_mem>>) src(%dma_wait3A_77 : memref<128x128xf32, #tpu.memory_space<hbm>>) dst(%arg9 : memref<128x128xf32, #tpu.memory_space<vmem>>)
      %run_scoped3A_78 = arith.constant 38 : i32
      "tpu.region"() ({
        %run_scoped3A_124 = tpu.sem_alloc : memref<!tpu.dma_semaphore, #tpu.memory_space<semaphore_mem>>
        %dma_start3A_125 = arith.constant 0 : i32
        %dma_start3A_126 = tpu.memref_slice %arg8[%run_scoped3A_78, %dma_start3A_125] : memref<40x128xi32, #tpu.memory_space<vmem>> -> memref<1x128xi32, #tpu.memory_space<vmem>>
        %dma_start3A_127 = tpu.memref_squeeze %dma_start3A_126 : memref<1x128xi32, #tpu.memory_space<vmem>> -> memref<128xi32, #tpu.memory_space<vmem>>
        %dma_start3A_128 = arith.constant 0 : i32
        %dma_start3A_129 = arith.constant 0 : i32
        %dma_start3A_130 = tpu.memref_slice %arg13[%dma_start3A_128, %dma_start3A_129] : memref<10240x128xf32, #tpu.memory_space<vmem_shared>> -> memref<10240x128xf32, #tpu.memory_space<vmem_shared>>
        tpu.enqueue_indirect_dma source(%arg9 : memref<128x128xf32, #tpu.memory_space<vmem>>) target(%dma_start3A_130 : memref<10240x128xf32, #tpu.memory_space<vmem_shared>>) offsets(%dma_start3A_127 : memref<128xi32, #tpu.memory_space<vmem>>) semaphore(%run_scoped3A_124 : memref<!tpu.dma_semaphore, #tpu.memory_space<semaphore_mem>>) {add = true}
        %dma_wait3A_131 = arith.constant 0 : i32
        %dma_wait3A_132 = tpu.memref_slice %arg8[%run_scoped3A_78, %dma_wait3A_131] : memref<40x128xi32, #tpu.memory_space<vmem>> -> memref<1x128xi32, #tpu.memory_space<vmem>>
        %dma_wait3A_133 = tpu.memref_squeeze %dma_wait3A_132 : memref<1x128xi32, #tpu.memory_space<vmem>> -> memref<128xi32, #tpu.memory_space<vmem>>
        %dma_wait3A_134 = arith.constant 0 : i32
        %dma_wait3A_135 = arith.constant 0 : i32
        %dma_wait3A_136 = tpu.memref_slice %arg13[%dma_wait3A_134, %dma_wait3A_135] : memref<10240x128xf32, #tpu.memory_space<vmem_shared>> -> memref<10240x128xf32, #tpu.memory_space<vmem_shared>>
        tpu.wait_indirect_dma semaphore(%run_scoped3A_124 : memref<!tpu.dma_semaphore, #tpu.memory_space<semaphore_mem>>) src(%arg9 : memref<128x128xf32, #tpu.memory_space<vmem>>) dst(%dma_wait3A_136 : memref<10240x128xf32, #tpu.memory_space<vmem_shared>>)
        tpu.yield
      }) : () -> ()
      %dma_wait3A_79 = arith.constant 0 : i32
      %dma_wait3A_80 = arith.constant 0 : i32
      %dma_wait3A_81 = tpu.memref_slice %arg2[%dma_wait3A_79, %dma_wait3A_80] : memref<10240x128xf32, #tpu.memory_space<hbm>> -> memref<128x128xf32, #tpu.memory_space<hbm>>
      %dma_wait3A_82 = arith.constant 0 : i32
      %dma_wait3A_83 = arith.constant 0 : i32
      %dma_wait3A_84 = tpu.memref_slice %arg2[%dma_wait3A_82, %dma_wait3A_83] : memref<10240x128xf32, #tpu.memory_space<hbm>> -> memref<128x128xf32, #tpu.memory_space<hbm>>
      tpu.wait_dma2 semaphore(%arg12 : memref<!tpu.dma_semaphore, #tpu.memory_space<semaphore_mem>>) src(%dma_wait3A_84 : memref<128x128xf32, #tpu.memory_space<hbm>>) dst(%arg10 : memref<128x128xf32, #tpu.memory_space<vmem>>)
      %run_scoped3A_85 = arith.constant 39 : i32
      "tpu.region"() ({
        %run_scoped3A_124 = tpu.sem_alloc : memref<!tpu.dma_semaphore, #tpu.memory_space<semaphore_mem>>
        %dma_start3A_125 = arith.constant 0 : i32
        %dma_start3A_126 = tpu.memref_slice %arg8[%run_scoped3A_85, %dma_start3A_125] : memref<40x128xi32, #tpu.memory_space<vmem>> -> memref<1x128xi32, #tpu.memory_space<vmem>>
        %dma_start3A_127 = tpu.memref_squeeze %dma_start3A_126 : memref<1x128xi32, #tpu.memory_space<vmem>> -> memref<128xi32, #tpu.memory_space<vmem>>
        %dma_start3A_128 = arith.constant 0 : i32
        %dma_start3A_129 = arith.constant 0 : i32
        %dma_start3A_130 = tpu.memref_slice %arg13[%dma_start3A_128, %dma_start3A_129] : memref<10240x128xf32, #tpu.memory_space<vmem_shared>> -> memref<10240x128xf32, #tpu.memory_space<vmem_shared>>
        tpu.enqueue_indirect_dma source(%arg10 : memref<128x128xf32, #tpu.memory_space<vmem>>) target(%dma_start3A_130 : memref<10240x128xf32, #tpu.memory_space<vmem_shared>>) offsets(%dma_start3A_127 : memref<128xi32, #tpu.memory_space<vmem>>) semaphore(%run_scoped3A_124 : memref<!tpu.dma_semaphore, #tpu.memory_space<semaphore_mem>>) {add = true}
        %dma_wait3A_131 = arith.constant 0 : i32
        %dma_wait3A_132 = tpu.memref_slice %arg8[%run_scoped3A_85, %dma_wait3A_131] : memref<40x128xi32, #tpu.memory_space<vmem>> -> memref<1x128xi32, #tpu.memory_space<vmem>>
        %dma_wait3A_133 = tpu.memref_squeeze %dma_wait3A_132 : memref<1x128xi32, #tpu.memory_space<vmem>> -> memref<128xi32, #tpu.memory_space<vmem>>
        %dma_wait3A_134 = arith.constant 0 : i32
        %dma_wait3A_135 = arith.constant 0 : i32
        %dma_wait3A_136 = tpu.memref_slice %arg13[%dma_wait3A_134, %dma_wait3A_135] : memref<10240x128xf32, #tpu.memory_space<vmem_shared>> -> memref<10240x128xf32, #tpu.memory_space<vmem_shared>>
        tpu.wait_indirect_dma semaphore(%run_scoped3A_124 : memref<!tpu.dma_semaphore, #tpu.memory_space<semaphore_mem>>) src(%arg10 : memref<128x128xf32, #tpu.memory_space<vmem>>) dst(%dma_wait3A_136 : memref<10240x128xf32, #tpu.memory_space<vmem_shared>>)
        tpu.yield
      }) : () -> ()
      %mul3A_86 = arith.constant 120 : i32
      %mul3A_87 = arith.muli %arg1, %mul3A_86 : i32
      %add3A_88 = arith.constant 80 : i32
      %add3A_89 = arith.addi %mul3A_87, %add3A_88 : i32
      "tpu.region"() ({
        %run_scoped3A_124 = tpu.sem_alloc : memref<!tpu.dma_semaphore, #tpu.memory_space<semaphore_mem>>
        %dma_start3A_125 = arith.constant 0 : i32
        %dma_start3A_126 = tpu.memref_slice %arg3[%add3A_89, %dma_start3A_125] : memref<2560x128xi32, #tpu.memory_space<hbm>> -> memref<40x128xi32, #tpu.memory_space<hbm>>
        %dma_start3A_127 = arith.constant 0 : i32
        %dma_start3A_128 = tpu.memref_slice %arg3[%add3A_89, %dma_start3A_127] : memref<2560x128xi32, #tpu.memory_space<hbm>> -> memref<40x128xi32, #tpu.memory_space<hbm>>
        tpu.enqueue_dma source(%dma_start3A_128 : memref<40x128xi32, #tpu.memory_space<hbm>>) target(%arg7 : memref<40x128xi32, #tpu.memory_space<vmem>>) target_semaphore(%run_scoped3A_124 : memref<!tpu.dma_semaphore, #tpu.memory_space<semaphore_mem>>)
        %dma_wait3A_129 = arith.constant 0 : i32
        %dma_wait3A_130 = tpu.memref_slice %arg3[%add3A_89, %dma_wait3A_129] : memref<2560x128xi32, #tpu.memory_space<hbm>> -> memref<40x128xi32, #tpu.memory_space<hbm>>
        %dma_wait3A_131 = arith.constant 0 : i32
        %dma_wait3A_132 = tpu.memref_slice %arg3[%add3A_89, %dma_wait3A_131] : memref<2560x128xi32, #tpu.memory_space<hbm>> -> memref<40x128xi32, #tpu.memory_space<hbm>>
        tpu.wait_dma2 semaphore(%run_scoped3A_124 : memref<!tpu.dma_semaphore, #tpu.memory_space<semaphore_mem>>) src(%dma_wait3A_132 : memref<40x128xi32, #tpu.memory_space<hbm>>) dst(%arg7 : memref<40x128xi32, #tpu.memory_space<vmem>>)
        tpu.yield
      }) : () -> ()
      "tpu.region"() ({
        %run_scoped3A_124 = tpu.sem_alloc : memref<!tpu.dma_semaphore, #tpu.memory_space<semaphore_mem>>
        %dma_start3A_125 = arith.constant 0 : i32
        %dma_start3A_126 = tpu.memref_slice %arg4[%add3A_89, %dma_start3A_125] : memref<2560x128xi32, #tpu.memory_space<hbm>> -> memref<40x128xi32, #tpu.memory_space<hbm>>
        %dma_start3A_127 = arith.constant 0 : i32
        %dma_start3A_128 = tpu.memref_slice %arg4[%add3A_89, %dma_start3A_127] : memref<2560x128xi32, #tpu.memory_space<hbm>> -> memref<40x128xi32, #tpu.memory_space<hbm>>
        tpu.enqueue_dma source(%dma_start3A_128 : memref<40x128xi32, #tpu.memory_space<hbm>>) target(%arg8 : memref<40x128xi32, #tpu.memory_space<vmem>>) target_semaphore(%run_scoped3A_124 : memref<!tpu.dma_semaphore, #tpu.memory_space<semaphore_mem>>)
        %dma_wait3A_129 = arith.constant 0 : i32
        %dma_wait3A_130 = tpu.memref_slice %arg4[%add3A_89, %dma_wait3A_129] : memref<2560x128xi32, #tpu.memory_space<hbm>> -> memref<40x128xi32, #tpu.memory_space<hbm>>
        %dma_wait3A_131 = arith.constant 0 : i32
        %dma_wait3A_132 = tpu.memref_slice %arg4[%add3A_89, %dma_wait3A_131] : memref<2560x128xi32, #tpu.memory_space<hbm>> -> memref<40x128xi32, #tpu.memory_space<hbm>>
        tpu.wait_dma2 semaphore(%run_scoped3A_124 : memref<!tpu.dma_semaphore, #tpu.memory_space<semaphore_mem>>) src(%dma_wait3A_132 : memref<40x128xi32, #tpu.memory_space<hbm>>) dst(%arg8 : memref<40x128xi32, #tpu.memory_space<vmem>>)
        tpu.yield
      }) : () -> ()
      %dma_start3A_90 = arith.constant 0 : i32
      %dma_start3A_91 = arith.constant 0 : i32
      %dma_start3A_92 = tpu.memref_slice %arg7[%dma_start3A_90, %dma_start3A_91] : memref<40x128xi32, #tpu.memory_space<vmem>> -> memref<1x128xi32, #tpu.memory_space<vmem>>
      %dma_start3A_93 = tpu.memref_squeeze %dma_start3A_92 : memref<1x128xi32, #tpu.memory_space<vmem>> -> memref<128xi32, #tpu.memory_space<vmem>>
      %dma_start3A_94 = arith.constant 0 : i32
      %dma_start3A_95 = arith.constant 0 : i32
      %dma_start3A_96 = tpu.memref_slice %arg2[%dma_start3A_94, %dma_start3A_95] : memref<10240x128xf32, #tpu.memory_space<hbm>> -> memref<10240x128xf32, #tpu.memory_space<hbm>>
      tpu.enqueue_indirect_dma source(%dma_start3A_96 : memref<10240x128xf32, #tpu.memory_space<hbm>>) target(%arg9 : memref<128x128xf32, #tpu.memory_space<vmem>>) offsets(%dma_start3A_93 : memref<128xi32, #tpu.memory_space<vmem>>) semaphore(%arg11 : memref<!tpu.dma_semaphore, #tpu.memory_space<semaphore_mem>>)
      %dma_start3A_97 = arith.constant 1 : i32
      %dma_start3A_98 = arith.constant 0 : i32
      %dma_start3A_99 = tpu.memref_slice %arg7[%dma_start3A_97, %dma_start3A_98] : memref<40x128xi32, #tpu.memory_space<vmem>> -> memref<1x128xi32, #tpu.memory_space<vmem>>
      %dma_start3A_100 = tpu.memref_squeeze %dma_start3A_99 : memref<1x128xi32, #tpu.memory_space<vmem>> -> memref<128xi32, #tpu.memory_space<vmem>>
      %dma_start3A_101 = arith.constant 0 : i32
      %dma_start3A_102 = arith.constant 0 : i32
      %dma_start3A_103 = tpu.memref_slice %arg2[%dma_start3A_101, %dma_start3A_102] : memref<10240x128xf32, #tpu.memory_space<hbm>> -> memref<10240x128xf32, #tpu.memory_space<hbm>>
      tpu.enqueue_indirect_dma source(%dma_start3A_103 : memref<10240x128xf32, #tpu.memory_space<hbm>>) target(%arg10 : memref<128x128xf32, #tpu.memory_space<vmem>>) offsets(%dma_start3A_100 : memref<128xi32, #tpu.memory_space<vmem>>) semaphore(%arg12 : memref<!tpu.dma_semaphore, #tpu.memory_space<semaphore_mem>>)
      %scan3A_104 = arith.constant 0 : i32
      %scan3A_105 = arith.constant 0 : i32
      %scan3A_106 = arith.constant 19 : i32
      %scan3A_107 = arith.addi %scan3A_105, %scan3A_106 : i32
      %scan3A_108 = arith.constant 1 : i32
      scf.for %scan3A_124 = %scan3A_105 to %scan3A_107 step %scan3A_108  : i32 {
        %mul3A_125 = arith.constant 2 : i32
        %mul3A_126 = arith.muli %mul3A_125, %scan3A_124 : i32
        %add3A_127 = arith.constant 0 : i32
        %add3A_128 = arith.addi %mul3A_126, %add3A_127 : i32
        %dma_wait3A_129 = arith.constant 0 : i32
        %dma_wait3A_130 = arith.constant 0 : i32
        %dma_wait3A_131 = tpu.memref_slice %arg2[%dma_wait3A_129, %dma_wait3A_130] : memref<10240x128xf32, #tpu.memory_space<hbm>> -> memref<128x128xf32, #tpu.memory_space<hbm>>
        %dma_wait3A_132 = arith.constant 0 : i32
        %dma_wait3A_133 = arith.constant 0 : i32
        %dma_wait3A_134 = tpu.memref_slice %arg2[%dma_wait3A_132, %dma_wait3A_133] : memref<10240x128xf32, #tpu.memory_space<hbm>> -> memref<128x128xf32, #tpu.memory_space<hbm>>
        tpu.wait_dma2 semaphore(%arg11 : memref<!tpu.dma_semaphore, #tpu.memory_space<semaphore_mem>>) src(%dma_wait3A_134 : memref<128x128xf32, #tpu.memory_space<hbm>>) dst(%arg9 : memref<128x128xf32, #tpu.memory_space<vmem>>)
        "tpu.region"() ({
          %run_scoped3A_161 = tpu.sem_alloc : memref<!tpu.dma_semaphore, #tpu.memory_space<semaphore_mem>>
          %dma_start3A_162 = arith.constant 0 : i32
          %dma_start3A_163 = tpu.memref_slice %arg8[%add3A_128, %dma_start3A_162] : memref<40x128xi32, #tpu.memory_space<vmem>> -> memref<1x128xi32, #tpu.memory_space<vmem>>
          %dma_start3A_164 = tpu.memref_squeeze %dma_start3A_163 : memref<1x128xi32, #tpu.memory_space<vmem>> -> memref<128xi32, #tpu.memory_space<vmem>>
          %dma_start3A_165 = arith.constant 0 : i32
          %dma_start3A_166 = arith.constant 0 : i32
          %dma_start3A_167 = tpu.memref_slice %arg13[%dma_start3A_165, %dma_start3A_166] : memref<10240x128xf32, #tpu.memory_space<vmem_shared>> -> memref<10240x128xf32, #tpu.memory_space<vmem_shared>>
          tpu.enqueue_indirect_dma source(%arg9 : memref<128x128xf32, #tpu.memory_space<vmem>>) target(%dma_start3A_167 : memref<10240x128xf32, #tpu.memory_space<vmem_shared>>) offsets(%dma_start3A_164 : memref<128xi32, #tpu.memory_space<vmem>>) semaphore(%run_scoped3A_161 : memref<!tpu.dma_semaphore, #tpu.memory_space<semaphore_mem>>) {add = true}
          %dma_wait3A_168 = arith.constant 0 : i32
          %dma_wait3A_169 = tpu.memref_slice %arg8[%add3A_128, %dma_wait3A_168] : memref<40x128xi32, #tpu.memory_space<vmem>> -> memref<1x128xi32, #tpu.memory_space<vmem>>
          %dma_wait3A_170 = tpu.memref_squeeze %dma_wait3A_169 : memref<1x128xi32, #tpu.memory_space<vmem>> -> memref<128xi32, #tpu.memory_space<vmem>>
          %dma_wait3A_171 = arith.constant 0 : i32
          %dma_wait3A_172 = arith.constant 0 : i32
          %dma_wait3A_173 = tpu.memref_slice %arg13[%dma_wait3A_171, %dma_wait3A_172] : memref<10240x128xf32, #tpu.memory_space<vmem_shared>> -> memref<10240x128xf32, #tpu.memory_space<vmem_shared>>
          tpu.wait_indirect_dma semaphore(%run_scoped3A_161 : memref<!tpu.dma_semaphore, #tpu.memory_space<semaphore_mem>>) src(%arg9 : memref<128x128xf32, #tpu.memory_space<vmem>>) dst(%dma_wait3A_173 : memref<10240x128xf32, #tpu.memory_space<vmem_shared>>)
          tpu.yield
        }) : () -> ()
        %add3A_135 = arith.constant 2 : i32
        %add3A_136 = arith.addi %add3A_128, %add3A_135 : i32
        %dma_start3A_137 = arith.constant 0 : i32
        %dma_start3A_138 = tpu.memref_slice %arg7[%add3A_136, %dma_start3A_137] : memref<40x128xi32, #tpu.memory_space<vmem>> -> memref<1x128xi32, #tpu.memory_space<vmem>>
        %dma_start3A_139 = tpu.memref_squeeze %dma_start3A_138 : memref<1x128xi32, #tpu.memory_space<vmem>> -> memref<128xi32, #tpu.memory_space<vmem>>
        %dma_start3A_140 = arith.constant 0 : i32
        %dma_start3A_141 = arith.constant 0 : i32
        %dma_start3A_142 = tpu.memref_slice %arg2[%dma_start3A_140, %dma_start3A_141] : memref<10240x128xf32, #tpu.memory_space<hbm>> -> memref<10240x128xf32, #tpu.memory_space<hbm>>
        tpu.enqueue_indirect_dma source(%dma_start3A_142 : memref<10240x128xf32, #tpu.memory_space<hbm>>) target(%arg9 : memref<128x128xf32, #tpu.memory_space<vmem>>) offsets(%dma_start3A_139 : memref<128xi32, #tpu.memory_space<vmem>>) semaphore(%arg11 : memref<!tpu.dma_semaphore, #tpu.memory_space<semaphore_mem>>)
        %mul3A_143 = arith.constant 2 : i32
        %mul3A_144 = arith.muli %mul3A_143, %scan3A_124 : i32
        %add3A_145 = arith.constant 1 : i32
        %add3A_146 = arith.addi %mul3A_144, %add3A_145 : i32
        %dma_wait3A_147 = arith.constant 0 : i32
        %dma_wait3A_148 = arith.constant 0 : i32
        %dma_wait3A_149 = tpu.memref_slice %arg2[%dma_wait3A_147, %dma_wait3A_148] : memref<10240x128xf32, #tpu.memory_space<hbm>> -> memref<128x128xf32, #tpu.memory_space<hbm>>
        %dma_wait3A_150 = arith.constant 0 : i32
        %dma_wait3A_151 = arith.constant 0 : i32
        %dma_wait3A_152 = tpu.memref_slice %arg2[%dma_wait3A_150, %dma_wait3A_151] : memref<10240x128xf32, #tpu.memory_space<hbm>> -> memref<128x128xf32, #tpu.memory_space<hbm>>
        tpu.wait_dma2 semaphore(%arg12 : memref<!tpu.dma_semaphore, #tpu.memory_space<semaphore_mem>>) src(%dma_wait3A_152 : memref<128x128xf32, #tpu.memory_space<hbm>>) dst(%arg10 : memref<128x128xf32, #tpu.memory_space<vmem>>)
        "tpu.region"() ({
          %run_scoped3A_161 = tpu.sem_alloc : memref<!tpu.dma_semaphore, #tpu.memory_space<semaphore_mem>>
          %dma_start3A_162 = arith.constant 0 : i32
          %dma_start3A_163 = tpu.memref_slice %arg8[%add3A_146, %dma_start3A_162] : memref<40x128xi32, #tpu.memory_space<vmem>> -> memref<1x128xi32, #tpu.memory_space<vmem>>
          %dma_start3A_164 = tpu.memref_squeeze %dma_start3A_163 : memref<1x128xi32, #tpu.memory_space<vmem>> -> memref<128xi32, #tpu.memory_space<vmem>>
          %dma_start3A_165 = arith.constant 0 : i32
          %dma_start3A_166 = arith.constant 0 : i32
          %dma_start3A_167 = tpu.memref_slice %arg13[%dma_start3A_165, %dma_start3A_166] : memref<10240x128xf32, #tpu.memory_space<vmem_shared>> -> memref<10240x128xf32, #tpu.memory_space<vmem_shared>>
          tpu.enqueue_indirect_dma source(%arg10 : memref<128x128xf32, #tpu.memory_space<vmem>>) target(%dma_start3A_167 : memref<10240x128xf32, #tpu.memory_space<vmem_shared>>) offsets(%dma_start3A_164 : memref<128xi32, #tpu.memory_space<vmem>>) semaphore(%run_scoped3A_161 : memref<!tpu.dma_semaphore, #tpu.memory_space<semaphore_mem>>) {add = true}
          %dma_wait3A_168 = arith.constant 0 : i32
          %dma_wait3A_169 = tpu.memref_slice %arg8[%add3A_146, %dma_wait3A_168] : memref<40x128xi32, #tpu.memory_space<vmem>> -> memref<1x128xi32, #tpu.memory_space<vmem>>
          %dma_wait3A_170 = tpu.memref_squeeze %dma_wait3A_169 : memref<1x128xi32, #tpu.memory_space<vmem>> -> memref<128xi32, #tpu.memory_space<vmem>>
          %dma_wait3A_171 = arith.constant 0 : i32
          %dma_wait3A_172 = arith.constant 0 : i32
          %dma_wait3A_173 = tpu.memref_slice %arg13[%dma_wait3A_171, %dma_wait3A_172] : memref<10240x128xf32, #tpu.memory_space<vmem_shared>> -> memref<10240x128xf32, #tpu.memory_space<vmem_shared>>
          tpu.wait_indirect_dma semaphore(%run_scoped3A_161 : memref<!tpu.dma_semaphore, #tpu.memory_space<semaphore_mem>>) src(%arg10 : memref<128x128xf32, #tpu.memory_space<vmem>>) dst(%dma_wait3A_173 : memref<10240x128xf32, #tpu.memory_space<vmem_shared>>)
          tpu.yield
        }) : () -> ()
        %add3A_153 = arith.constant 2 : i32
        %add3A_154 = arith.addi %add3A_146, %add3A_153 : i32
        %dma_start3A_155 = arith.constant 0 : i32
        %dma_start3A_156 = tpu.memref_slice %arg7[%add3A_154, %dma_start3A_155] : memref<40x128xi32, #tpu.memory_space<vmem>> -> memref<1x128xi32, #tpu.memory_space<vmem>>
        %dma_start3A_157 = tpu.memref_squeeze %dma_start3A_156 : memref<1x128xi32, #tpu.memory_space<vmem>> -> memref<128xi32, #tpu.memory_space<vmem>>
        %dma_start3A_158 = arith.constant 0 : i32
        %dma_start3A_159 = arith.constant 0 : i32
        %dma_start3A_160 = tpu.memref_slice %arg2[%dma_start3A_158, %dma_start3A_159] : memref<10240x128xf32, #tpu.memory_space<hbm>> -> memref<10240x128xf32, #tpu.memory_space<hbm>>
        tpu.enqueue_indirect_dma source(%dma_start3A_160 : memref<10240x128xf32, #tpu.memory_space<hbm>>) target(%arg10 : memref<128x128xf32, #tpu.memory_space<vmem>>) offsets(%dma_start3A_157 : memref<128xi32, #tpu.memory_space<vmem>>) semaphore(%arg12 : memref<!tpu.dma_semaphore, #tpu.memory_space<semaphore_mem>>)
      }
      %scan3A_109 = arith.constant 19 : i32
      %dma_wait3A_110 = arith.constant 0 : i32
      %dma_wait3A_111 = arith.constant 0 : i32
      %dma_wait3A_112 = tpu.memref_slice %arg2[%dma_wait3A_110, %dma_wait3A_111] : memref<10240x128xf32, #tpu.memory_space<hbm>> -> memref<128x128xf32, #tpu.memory_space<hbm>>
      %dma_wait3A_113 = arith.constant 0 : i32
      %dma_wait3A_114 = arith.constant 0 : i32
      %dma_wait3A_115 = tpu.memref_slice %arg2[%dma_wait3A_113, %dma_wait3A_114] : memref<10240x128xf32, #tpu.memory_space<hbm>> -> memref<128x128xf32, #tpu.memory_space<hbm>>
      tpu.wait_dma2 semaphore(%arg11 : memref<!tpu.dma_semaphore, #tpu.memory_space<semaphore_mem>>) src(%dma_wait3A_115 : memref<128x128xf32, #tpu.memory_space<hbm>>) dst(%arg9 : memref<128x128xf32, #tpu.memory_space<vmem>>)
      %run_scoped3A_116 = arith.constant 38 : i32
      "tpu.region"() ({
        %run_scoped3A_124 = tpu.sem_alloc : memref<!tpu.dma_semaphore, #tpu.memory_space<semaphore_mem>>
        %dma_start3A_125 = arith.constant 0 : i32
        %dma_start3A_126 = tpu.memref_slice %arg8[%run_scoped3A_116, %dma_start3A_125] : memref<40x128xi32, #tpu.memory_space<vmem>> -> memref<1x128xi32, #tpu.memory_space<vmem>>
        %dma_start3A_127 = tpu.memref_squeeze %dma_start3A_126 : memref<1x128xi32, #tpu.memory_space<vmem>> -> memref<128xi32, #tpu.memory_space<vmem>>
        %dma_start3A_128 = arith.constant 0 : i32
        %dma_start3A_129 = arith.constant 0 : i32
        %dma_start3A_130 = tpu.memref_slice %arg13[%dma_start3A_128, %dma_start3A_129] : memref<10240x128xf32, #tpu.memory_space<vmem_shared>> -> memref<10240x128xf32, #tpu.memory_space<vmem_shared>>
        tpu.enqueue_indirect_dma source(%arg9 : memref<128x128xf32, #tpu.memory_space<vmem>>) target(%dma_start3A_130 : memref<10240x128xf32, #tpu.memory_space<vmem_shared>>) offsets(%dma_start3A_127 : memref<128xi32, #tpu.memory_space<vmem>>) semaphore(%run_scoped3A_124 : memref<!tpu.dma_semaphore, #tpu.memory_space<semaphore_mem>>) {add = true}
        %dma_wait3A_131 = arith.constant 0 : i32
        %dma_wait3A_132 = tpu.memref_slice %arg8[%run_scoped3A_116, %dma_wait3A_131] : memref<40x128xi32, #tpu.memory_space<vmem>> -> memref<1x128xi32, #tpu.memory_space<vmem>>
        %dma_wait3A_133 = tpu.memref_squeeze %dma_wait3A_132 : memref<1x128xi32, #tpu.memory_space<vmem>> -> memref<128xi32, #tpu.memory_space<vmem>>
        %dma_wait3A_134 = arith.constant 0 : i32
        %dma_wait3A_135 = arith.constant 0 : i32
        %dma_wait3A_136 = tpu.memref_slice %arg13[%dma_wait3A_134, %dma_wait3A_135] : memref<10240x128xf32, #tpu.memory_space<vmem_shared>> -> memref<10240x128xf32, #tpu.memory_space<vmem_shared>>
        tpu.wait_indirect_dma semaphore(%run_scoped3A_124 : memref<!tpu.dma_semaphore, #tpu.memory_space<semaphore_mem>>) src(%arg9 : memref<128x128xf32, #tpu.memory_space<vmem>>) dst(%dma_wait3A_136 : memref<10240x128xf32, #tpu.memory_space<vmem_shared>>)
        tpu.yield
      }) : () -> ()
      %dma_wait3A_117 = arith.constant 0 : i32
      %dma_wait3A_118 = arith.constant 0 : i32
      %dma_wait3A_119 = tpu.memref_slice %arg2[%dma_wait3A_117, %dma_wait3A_118] : memref<10240x128xf32, #tpu.memory_space<hbm>> -> memref<128x128xf32, #tpu.memory_space<hbm>>
      %dma_wait3A_120 = arith.constant 0 : i32
      %dma_wait3A_121 = arith.constant 0 : i32
      %dma_wait3A_122 = tpu.memref_slice %arg2[%dma_wait3A_120, %dma_wait3A_121] : memref<10240x128xf32, #tpu.memory_space<hbm>> -> memref<128x128xf32, #tpu.memory_space<hbm>>
      tpu.wait_dma2 semaphore(%arg12 : memref<!tpu.dma_semaphore, #tpu.memory_space<semaphore_mem>>) src(%dma_wait3A_122 : memref<128x128xf32, #tpu.memory_space<hbm>>) dst(%arg10 : memref<128x128xf32, #tpu.memory_space<vmem>>)
      %run_scoped3A_123 = arith.constant 39 : i32
      "tpu.region"() ({
        %run_scoped3A_124 = tpu.sem_alloc : memref<!tpu.dma_semaphore, #tpu.memory_space<semaphore_mem>>
        %dma_start3A_125 = arith.constant 0 : i32
        %dma_start3A_126 = tpu.memref_slice %arg8[%run_scoped3A_123, %dma_start3A_125] : memref<40x128xi32, #tpu.memory_space<vmem>> -> memref<1x128xi32, #tpu.memory_space<vmem>>
        %dma_start3A_127 = tpu.memref_squeeze %dma_start3A_126 : memref<1x128xi32, #tpu.memory_space<vmem>> -> memref<128xi32, #tpu.memory_space<vmem>>
        %dma_start3A_128 = arith.constant 0 : i32
        %dma_start3A_129 = arith.constant 0 : i32
        %dma_start3A_130 = tpu.memref_slice %arg13[%dma_start3A_128, %dma_start3A_129] : memref<10240x128xf32, #tpu.memory_space<vmem_shared>> -> memref<10240x128xf32, #tpu.memory_space<vmem_shared>>
        tpu.enqueue_indirect_dma source(%arg10 : memref<128x128xf32, #tpu.memory_space<vmem>>) target(%dma_start3A_130 : memref<10240x128xf32, #tpu.memory_space<vmem_shared>>) offsets(%dma_start3A_127 : memref<128xi32, #tpu.memory_space<vmem>>) semaphore(%run_scoped3A_124 : memref<!tpu.dma_semaphore, #tpu.memory_space<semaphore_mem>>) {add = true}
        %dma_wait3A_131 = arith.constant 0 : i32
        %dma_wait3A_132 = tpu.memref_slice %arg8[%run_scoped3A_123, %dma_wait3A_131] : memref<40x128xi32, #tpu.memory_space<vmem>> -> memref<1x128xi32, #tpu.memory_space<vmem>>
        %dma_wait3A_133 = tpu.memref_squeeze %dma_wait3A_132 : memref<1x128xi32, #tpu.memory_space<vmem>> -> memref<128xi32, #tpu.memory_space<vmem>>
        %dma_wait3A_134 = arith.constant 0 : i32
        %dma_wait3A_135 = arith.constant 0 : i32
        %dma_wait3A_136 = tpu.memref_slice %arg13[%dma_wait3A_134, %dma_wait3A_135] : memref<10240x128xf32, #tpu.memory_space<vmem_shared>> -> memref<10240x128xf32, #tpu.memory_space<vmem_shared>>
        tpu.wait_indirect_dma semaphore(%run_scoped3A_124 : memref<!tpu.dma_semaphore, #tpu.memory_space<semaphore_mem>>) src(%arg10 : memref<128x128xf32, #tpu.memory_space<vmem>>) dst(%dma_wait3A_136 : memref<10240x128xf32, #tpu.memory_space<vmem_shared>>)
        tpu.yield
      }) : () -> ()
    } else {
    }
    %eq3A_5 = arith.constant 1 : i32
    %eq3A_6 = arith.cmpi eq, %arg0, %eq3A_5 : i32
    %convert_element_type3A_7 = arith.extui %eq3A_6 : i1 to i32
    %cond3A_8 = arith.constant 0 : i32
    %cond3A_9 = arith.cmpi ne, %convert_element_type3A_7, %cond3A_8 : i32
    scf.if %cond3A_9 {
      %mul3A_15 = arith.constant 40 : i32
      %mul3A_16 = arith.muli %arg1, %mul3A_15 : i32
      %add3A = arith.constant 1920 : i32
      %add3A_17 = arith.addi %add3A, %mul3A_16 : i32
      %add3A_18 = arith.constant 0 : i32
      %add3A_19 = arith.addi %add3A_17, %add3A_18 : i32
      "tpu.region"() ({
        %run_scoped3A_50 = tpu.sem_alloc : memref<!tpu.dma_semaphore, #tpu.memory_space<semaphore_mem>>
        %dma_start3A_51 = arith.constant 0 : i32
        %dma_start3A_52 = tpu.memref_slice %arg3[%add3A_19, %dma_start3A_51] : memref<2560x128xi32, #tpu.memory_space<hbm>> -> memref<40x128xi32, #tpu.memory_space<hbm>>
        %dma_start3A_53 = arith.constant 0 : i32
        %dma_start3A_54 = tpu.memref_slice %arg3[%add3A_19, %dma_start3A_53] : memref<2560x128xi32, #tpu.memory_space<hbm>> -> memref<40x128xi32, #tpu.memory_space<hbm>>
        tpu.enqueue_dma source(%dma_start3A_54 : memref<40x128xi32, #tpu.memory_space<hbm>>) target(%arg7 : memref<40x128xi32, #tpu.memory_space<vmem>>) target_semaphore(%run_scoped3A_50 : memref<!tpu.dma_semaphore, #tpu.memory_space<semaphore_mem>>)
        %dma_wait3A_55 = arith.constant 0 : i32
        %dma_wait3A_56 = tpu.memref_slice %arg3[%add3A_19, %dma_wait3A_55] : memref<2560x128xi32, #tpu.memory_space<hbm>> -> memref<40x128xi32, #tpu.memory_space<hbm>>
        %dma_wait3A_57 = arith.constant 0 : i32
        %dma_wait3A_58 = tpu.memref_slice %arg3[%add3A_19, %dma_wait3A_57] : memref<2560x128xi32, #tpu.memory_space<hbm>> -> memref<40x128xi32, #tpu.memory_space<hbm>>
        tpu.wait_dma2 semaphore(%run_scoped3A_50 : memref<!tpu.dma_semaphore, #tpu.memory_space<semaphore_mem>>) src(%dma_wait3A_58 : memref<40x128xi32, #tpu.memory_space<hbm>>) dst(%arg7 : memref<40x128xi32, #tpu.memory_space<vmem>>)
        tpu.yield
      }) : () -> ()
      "tpu.region"() ({
        %run_scoped3A_50 = tpu.sem_alloc : memref<!tpu.dma_semaphore, #tpu.memory_space<semaphore_mem>>
        %dma_start3A_51 = arith.constant 0 : i32
        %dma_start3A_52 = tpu.memref_slice %arg4[%add3A_19, %dma_start3A_51] : memref<2560x128xi32, #tpu.memory_space<hbm>> -> memref<40x128xi32, #tpu.memory_space<hbm>>
        %dma_start3A_53 = arith.constant 0 : i32
        %dma_start3A_54 = tpu.memref_slice %arg4[%add3A_19, %dma_start3A_53] : memref<2560x128xi32, #tpu.memory_space<hbm>> -> memref<40x128xi32, #tpu.memory_space<hbm>>
        tpu.enqueue_dma source(%dma_start3A_54 : memref<40x128xi32, #tpu.memory_space<hbm>>) target(%arg8 : memref<40x128xi32, #tpu.memory_space<vmem>>) target_semaphore(%run_scoped3A_50 : memref<!tpu.dma_semaphore, #tpu.memory_space<semaphore_mem>>)
        %dma_wait3A_55 = arith.constant 0 : i32
        %dma_wait3A_56 = tpu.memref_slice %arg4[%add3A_19, %dma_wait3A_55] : memref<2560x128xi32, #tpu.memory_space<hbm>> -> memref<40x128xi32, #tpu.memory_space<hbm>>
        %dma_wait3A_57 = arith.constant 0 : i32
        %dma_wait3A_58 = tpu.memref_slice %arg4[%add3A_19, %dma_wait3A_57] : memref<2560x128xi32, #tpu.memory_space<hbm>> -> memref<40x128xi32, #tpu.memory_space<hbm>>
        tpu.wait_dma2 semaphore(%run_scoped3A_50 : memref<!tpu.dma_semaphore, #tpu.memory_space<semaphore_mem>>) src(%dma_wait3A_58 : memref<40x128xi32, #tpu.memory_space<hbm>>) dst(%arg8 : memref<40x128xi32, #tpu.memory_space<vmem>>)
        tpu.yield
      }) : () -> ()
      %dma_start3A = arith.constant 0 : i32
      %dma_start3A_20 = arith.constant 0 : i32
      %dma_start3A_21 = tpu.memref_slice %arg7[%dma_start3A, %dma_start3A_20] : memref<40x128xi32, #tpu.memory_space<vmem>> -> memref<1x128xi32, #tpu.memory_space<vmem>>
      %dma_start3A_22 = tpu.memref_squeeze %dma_start3A_21 : memref<1x128xi32, #tpu.memory_space<vmem>> -> memref<128xi32, #tpu.memory_space<vmem>>
      %dma_start3A_23 = arith.constant 0 : i32
      %dma_start3A_24 = arith.constant 0 : i32
      %dma_start3A_25 = tpu.memref_slice %arg2[%dma_start3A_23, %dma_start3A_24] : memref<10240x128xf32, #tpu.memory_space<hbm>> -> memref<10240x128xf32, #tpu.memory_space<hbm>>
      tpu.enqueue_indirect_dma source(%dma_start3A_25 : memref<10240x128xf32, #tpu.memory_space<hbm>>) target(%arg9 : memref<128x128xf32, #tpu.memory_space<vmem>>) offsets(%dma_start3A_22 : memref<128xi32, #tpu.memory_space<vmem>>) semaphore(%arg11 : memref<!tpu.dma_semaphore, #tpu.memory_space<semaphore_mem>>)
      %dma_start3A_26 = arith.constant 1 : i32
      %dma_start3A_27 = arith.constant 0 : i32
      %dma_start3A_28 = tpu.memref_slice %arg7[%dma_start3A_26, %dma_start3A_27] : memref<40x128xi32, #tpu.memory_space<vmem>> -> memref<1x128xi32, #tpu.memory_space<vmem>>
      %dma_start3A_29 = tpu.memref_squeeze %dma_start3A_28 : memref<1x128xi32, #tpu.memory_space<vmem>> -> memref<128xi32, #tpu.memory_space<vmem>>
      %dma_start3A_30 = arith.constant 0 : i32
      %dma_start3A_31 = arith.constant 0 : i32
      %dma_start3A_32 = tpu.memref_slice %arg2[%dma_start3A_30, %dma_start3A_31] : memref<10240x128xf32, #tpu.memory_space<hbm>> -> memref<10240x128xf32, #tpu.memory_space<hbm>>
      tpu.enqueue_indirect_dma source(%dma_start3A_32 : memref<10240x128xf32, #tpu.memory_space<hbm>>) target(%arg10 : memref<128x128xf32, #tpu.memory_space<vmem>>) offsets(%dma_start3A_29 : memref<128xi32, #tpu.memory_space<vmem>>) semaphore(%arg12 : memref<!tpu.dma_semaphore, #tpu.memory_space<semaphore_mem>>)
      %scan3A = arith.constant 0 : i32
      %scan3A_33 = arith.constant 0 : i32
      %scan3A_34 = arith.constant 19 : i32
      %scan3A_35 = arith.addi %scan3A_33, %scan3A_34 : i32
      %scan3A_36 = arith.constant 1 : i32
      scf.for %scan3A_50 = %scan3A_33 to %scan3A_35 step %scan3A_36  : i32 {
        %mul3A_51 = arith.constant 2 : i32
        %mul3A_52 = arith.muli %mul3A_51, %scan3A_50 : i32
        %add3A_53 = arith.constant 0 : i32
        %add3A_54 = arith.addi %mul3A_52, %add3A_53 : i32
        %dma_wait3A_55 = arith.constant 0 : i32
        %dma_wait3A_56 = arith.constant 0 : i32
        %dma_wait3A_57 = tpu.memref_slice %arg2[%dma_wait3A_55, %dma_wait3A_56] : memref<10240x128xf32, #tpu.memory_space<hbm>> -> memref<128x128xf32, #tpu.memory_space<hbm>>
        %dma_wait3A_58 = arith.constant 0 : i32
        %dma_wait3A_59 = arith.constant 0 : i32
        %dma_wait3A_60 = tpu.memref_slice %arg2[%dma_wait3A_58, %dma_wait3A_59] : memref<10240x128xf32, #tpu.memory_space<hbm>> -> memref<128x128xf32, #tpu.memory_space<hbm>>
        tpu.wait_dma2 semaphore(%arg11 : memref<!tpu.dma_semaphore, #tpu.memory_space<semaphore_mem>>) src(%dma_wait3A_60 : memref<128x128xf32, #tpu.memory_space<hbm>>) dst(%arg9 : memref<128x128xf32, #tpu.memory_space<vmem>>)
        "tpu.region"() ({
          %run_scoped3A_87 = tpu.sem_alloc : memref<!tpu.dma_semaphore, #tpu.memory_space<semaphore_mem>>
          %dma_start3A_88 = arith.constant 0 : i32
          %dma_start3A_89 = tpu.memref_slice %arg8[%add3A_54, %dma_start3A_88] : memref<40x128xi32, #tpu.memory_space<vmem>> -> memref<1x128xi32, #tpu.memory_space<vmem>>
          %dma_start3A_90 = tpu.memref_squeeze %dma_start3A_89 : memref<1x128xi32, #tpu.memory_space<vmem>> -> memref<128xi32, #tpu.memory_space<vmem>>
          %dma_start3A_91 = arith.constant 0 : i32
          %dma_start3A_92 = arith.constant 0 : i32
          %dma_start3A_93 = tpu.memref_slice %arg13[%dma_start3A_91, %dma_start3A_92] : memref<10240x128xf32, #tpu.memory_space<vmem_shared>> -> memref<10240x128xf32, #tpu.memory_space<vmem_shared>>
          tpu.enqueue_indirect_dma source(%arg9 : memref<128x128xf32, #tpu.memory_space<vmem>>) target(%dma_start3A_93 : memref<10240x128xf32, #tpu.memory_space<vmem_shared>>) offsets(%dma_start3A_90 : memref<128xi32, #tpu.memory_space<vmem>>) semaphore(%run_scoped3A_87 : memref<!tpu.dma_semaphore, #tpu.memory_space<semaphore_mem>>) {add = true}
          %dma_wait3A_94 = arith.constant 0 : i32
          %dma_wait3A_95 = tpu.memref_slice %arg8[%add3A_54, %dma_wait3A_94] : memref<40x128xi32, #tpu.memory_space<vmem>> -> memref<1x128xi32, #tpu.memory_space<vmem>>
          %dma_wait3A_96 = tpu.memref_squeeze %dma_wait3A_95 : memref<1x128xi32, #tpu.memory_space<vmem>> -> memref<128xi32, #tpu.memory_space<vmem>>
          %dma_wait3A_97 = arith.constant 0 : i32
          %dma_wait3A_98 = arith.constant 0 : i32
          %dma_wait3A_99 = tpu.memref_slice %arg13[%dma_wait3A_97, %dma_wait3A_98] : memref<10240x128xf32, #tpu.memory_space<vmem_shared>> -> memref<10240x128xf32, #tpu.memory_space<vmem_shared>>
          tpu.wait_indirect_dma semaphore(%run_scoped3A_87 : memref<!tpu.dma_semaphore, #tpu.memory_space<semaphore_mem>>) src(%arg9 : memref<128x128xf32, #tpu.memory_space<vmem>>) dst(%dma_wait3A_99 : memref<10240x128xf32, #tpu.memory_space<vmem_shared>>)
          tpu.yield
        }) : () -> ()
        %add3A_61 = arith.constant 2 : i32
        %add3A_62 = arith.addi %add3A_54, %add3A_61 : i32
        %dma_start3A_63 = arith.constant 0 : i32
        %dma_start3A_64 = tpu.memref_slice %arg7[%add3A_62, %dma_start3A_63] : memref<40x128xi32, #tpu.memory_space<vmem>> -> memref<1x128xi32, #tpu.memory_space<vmem>>
        %dma_start3A_65 = tpu.memref_squeeze %dma_start3A_64 : memref<1x128xi32, #tpu.memory_space<vmem>> -> memref<128xi32, #tpu.memory_space<vmem>>
        %dma_start3A_66 = arith.constant 0 : i32
        %dma_start3A_67 = arith.constant 0 : i32
        %dma_start3A_68 = tpu.memref_slice %arg2[%dma_start3A_66, %dma_start3A_67] : memref<10240x128xf32, #tpu.memory_space<hbm>> -> memref<10240x128xf32, #tpu.memory_space<hbm>>
        tpu.enqueue_indirect_dma source(%dma_start3A_68 : memref<10240x128xf32, #tpu.memory_space<hbm>>) target(%arg9 : memref<128x128xf32, #tpu.memory_space<vmem>>) offsets(%dma_start3A_65 : memref<128xi32, #tpu.memory_space<vmem>>) semaphore(%arg11 : memref<!tpu.dma_semaphore, #tpu.memory_space<semaphore_mem>>)
        %mul3A_69 = arith.constant 2 : i32
        %mul3A_70 = arith.muli %mul3A_69, %scan3A_50 : i32
        %add3A_71 = arith.constant 1 : i32
        %add3A_72 = arith.addi %mul3A_70, %add3A_71 : i32
        %dma_wait3A_73 = arith.constant 0 : i32
        %dma_wait3A_74 = arith.constant 0 : i32
        %dma_wait3A_75 = tpu.memref_slice %arg2[%dma_wait3A_73, %dma_wait3A_74] : memref<10240x128xf32, #tpu.memory_space<hbm>> -> memref<128x128xf32, #tpu.memory_space<hbm>>
        %dma_wait3A_76 = arith.constant 0 : i32
        %dma_wait3A_77 = arith.constant 0 : i32
        %dma_wait3A_78 = tpu.memref_slice %arg2[%dma_wait3A_76, %dma_wait3A_77] : memref<10240x128xf32, #tpu.memory_space<hbm>> -> memref<128x128xf32, #tpu.memory_space<hbm>>
        tpu.wait_dma2 semaphore(%arg12 : memref<!tpu.dma_semaphore, #tpu.memory_space<semaphore_mem>>) src(%dma_wait3A_78 : memref<128x128xf32, #tpu.memory_space<hbm>>) dst(%arg10 : memref<128x128xf32, #tpu.memory_space<vmem>>)
        "tpu.region"() ({
          %run_scoped3A_87 = tpu.sem_alloc : memref<!tpu.dma_semaphore, #tpu.memory_space<semaphore_mem>>
          %dma_start3A_88 = arith.constant 0 : i32
          %dma_start3A_89 = tpu.memref_slice %arg8[%add3A_72, %dma_start3A_88] : memref<40x128xi32, #tpu.memory_space<vmem>> -> memref<1x128xi32, #tpu.memory_space<vmem>>
          %dma_start3A_90 = tpu.memref_squeeze %dma_start3A_89 : memref<1x128xi32, #tpu.memory_space<vmem>> -> memref<128xi32, #tpu.memory_space<vmem>>
          %dma_start3A_91 = arith.constant 0 : i32
          %dma_start3A_92 = arith.constant 0 : i32
          %dma_start3A_93 = tpu.memref_slice %arg13[%dma_start3A_91, %dma_start3A_92] : memref<10240x128xf32, #tpu.memory_space<vmem_shared>> -> memref<10240x128xf32, #tpu.memory_space<vmem_shared>>
          tpu.enqueue_indirect_dma source(%arg10 : memref<128x128xf32, #tpu.memory_space<vmem>>) target(%dma_start3A_93 : memref<10240x128xf32, #tpu.memory_space<vmem_shared>>) offsets(%dma_start3A_90 : memref<128xi32, #tpu.memory_space<vmem>>) semaphore(%run_scoped3A_87 : memref<!tpu.dma_semaphore, #tpu.memory_space<semaphore_mem>>) {add = true}
          %dma_wait3A_94 = arith.constant 0 : i32
          %dma_wait3A_95 = tpu.memref_slice %arg8[%add3A_72, %dma_wait3A_94] : memref<40x128xi32, #tpu.memory_space<vmem>> -> memref<1x128xi32, #tpu.memory_space<vmem>>
          %dma_wait3A_96 = tpu.memref_squeeze %dma_wait3A_95 : memref<1x128xi32, #tpu.memory_space<vmem>> -> memref<128xi32, #tpu.memory_space<vmem>>
          %dma_wait3A_97 = arith.constant 0 : i32
          %dma_wait3A_98 = arith.constant 0 : i32
          %dma_wait3A_99 = tpu.memref_slice %arg13[%dma_wait3A_97, %dma_wait3A_98] : memref<10240x128xf32, #tpu.memory_space<vmem_shared>> -> memref<10240x128xf32, #tpu.memory_space<vmem_shared>>
          tpu.wait_indirect_dma semaphore(%run_scoped3A_87 : memref<!tpu.dma_semaphore, #tpu.memory_space<semaphore_mem>>) src(%arg10 : memref<128x128xf32, #tpu.memory_space<vmem>>) dst(%dma_wait3A_99 : memref<10240x128xf32, #tpu.memory_space<vmem_shared>>)
          tpu.yield
        }) : () -> ()
        %add3A_79 = arith.constant 2 : i32
        %add3A_80 = arith.addi %add3A_72, %add3A_79 : i32
        %dma_start3A_81 = arith.constant 0 : i32
        %dma_start3A_82 = tpu.memref_slice %arg7[%add3A_80, %dma_start3A_81] : memref<40x128xi32, #tpu.memory_space<vmem>> -> memref<1x128xi32, #tpu.memory_space<vmem>>
        %dma_start3A_83 = tpu.memref_squeeze %dma_start3A_82 : memref<1x128xi32, #tpu.memory_space<vmem>> -> memref<128xi32, #tpu.memory_space<vmem>>
        %dma_start3A_84 = arith.constant 0 : i32
        %dma_start3A_85 = arith.constant 0 : i32
        %dma_start3A_86 = tpu.memref_slice %arg2[%dma_start3A_84, %dma_start3A_85] : memref<10240x128xf32, #tpu.memory_space<hbm>> -> memref<10240x128xf32, #tpu.memory_space<hbm>>
        tpu.enqueue_indirect_dma source(%dma_start3A_86 : memref<10240x128xf32, #tpu.memory_space<hbm>>) target(%arg10 : memref<128x128xf32, #tpu.memory_space<vmem>>) offsets(%dma_start3A_83 : memref<128xi32, #tpu.memory_space<vmem>>) semaphore(%arg12 : memref<!tpu.dma_semaphore, #tpu.memory_space<semaphore_mem>>)
      }
      %scan3A_37 = arith.constant 19 : i32
      %dma_wait3A = arith.constant 0 : i32
      %dma_wait3A_38 = arith.constant 0 : i32
      %dma_wait3A_39 = tpu.memref_slice %arg2[%dma_wait3A, %dma_wait3A_38] : memref<10240x128xf32, #tpu.memory_space<hbm>> -> memref<128x128xf32, #tpu.memory_space<hbm>>
      %dma_wait3A_40 = arith.constant 0 : i32
      %dma_wait3A_41 = arith.constant 0 : i32
      %dma_wait3A_42 = tpu.memref_slice %arg2[%dma_wait3A_40, %dma_wait3A_41] : memref<10240x128xf32, #tpu.memory_space<hbm>> -> memref<128x128xf32, #tpu.memory_space<hbm>>
      tpu.wait_dma2 semaphore(%arg11 : memref<!tpu.dma_semaphore, #tpu.memory_space<semaphore_mem>>) src(%dma_wait3A_42 : memref<128x128xf32, #tpu.memory_space<hbm>>) dst(%arg9 : memref<128x128xf32, #tpu.memory_space<vmem>>)
      %run_scoped3A = arith.constant 38 : i32
      "tpu.region"() ({
        %run_scoped3A_50 = tpu.sem_alloc : memref<!tpu.dma_semaphore, #tpu.memory_space<semaphore_mem>>
        %dma_start3A_51 = arith.constant 0 : i32
        %dma_start3A_52 = tpu.memref_slice %arg8[%run_scoped3A, %dma_start3A_51] : memref<40x128xi32, #tpu.memory_space<vmem>> -> memref<1x128xi32, #tpu.memory_space<vmem>>
        %dma_start3A_53 = tpu.memref_squeeze %dma_start3A_52 : memref<1x128xi32, #tpu.memory_space<vmem>> -> memref<128xi32, #tpu.memory_space<vmem>>
        %dma_start3A_54 = arith.constant 0 : i32
        %dma_start3A_55 = arith.constant 0 : i32
        %dma_start3A_56 = tpu.memref_slice %arg13[%dma_start3A_54, %dma_start3A_55] : memref<10240x128xf32, #tpu.memory_space<vmem_shared>> -> memref<10240x128xf32, #tpu.memory_space<vmem_shared>>
        tpu.enqueue_indirect_dma source(%arg9 : memref<128x128xf32, #tpu.memory_space<vmem>>) target(%dma_start3A_56 : memref<10240x128xf32, #tpu.memory_space<vmem_shared>>) offsets(%dma_start3A_53 : memref<128xi32, #tpu.memory_space<vmem>>) semaphore(%run_scoped3A_50 : memref<!tpu.dma_semaphore, #tpu.memory_space<semaphore_mem>>) {add = true}
        %dma_wait3A_57 = arith.constant 0 : i32
        %dma_wait3A_58 = tpu.memref_slice %arg8[%run_scoped3A, %dma_wait3A_57] : memref<40x128xi32, #tpu.memory_space<vmem>> -> memref<1x128xi32, #tpu.memory_space<vmem>>
        %dma_wait3A_59 = tpu.memref_squeeze %dma_wait3A_58 : memref<1x128xi32, #tpu.memory_space<vmem>> -> memref<128xi32, #tpu.memory_space<vmem>>
        %dma_wait3A_60 = arith.constant 0 : i32
        %dma_wait3A_61 = arith.constant 0 : i32
        %dma_wait3A_62 = tpu.memref_slice %arg13[%dma_wait3A_60, %dma_wait3A_61] : memref<10240x128xf32, #tpu.memory_space<vmem_shared>> -> memref<10240x128xf32, #tpu.memory_space<vmem_shared>>
        tpu.wait_indirect_dma semaphore(%run_scoped3A_50 : memref<!tpu.dma_semaphore, #tpu.memory_space<semaphore_mem>>) src(%arg9 : memref<128x128xf32, #tpu.memory_space<vmem>>) dst(%dma_wait3A_62 : memref<10240x128xf32, #tpu.memory_space<vmem_shared>>)
        tpu.yield
      }) : () -> ()
      %dma_wait3A_43 = arith.constant 0 : i32
      %dma_wait3A_44 = arith.constant 0 : i32
      %dma_wait3A_45 = tpu.memref_slice %arg2[%dma_wait3A_43, %dma_wait3A_44] : memref<10240x128xf32, #tpu.memory_space<hbm>> -> memref<128x128xf32, #tpu.memory_space<hbm>>
      %dma_wait3A_46 = arith.constant 0 : i32
      %dma_wait3A_47 = arith.constant 0 : i32
      %dma_wait3A_48 = tpu.memref_slice %arg2[%dma_wait3A_46, %dma_wait3A_47] : memref<10240x128xf32, #tpu.memory_space<hbm>> -> memref<128x128xf32, #tpu.memory_space<hbm>>
      tpu.wait_dma2 semaphore(%arg12 : memref<!tpu.dma_semaphore, #tpu.memory_space<semaphore_mem>>) src(%dma_wait3A_48 : memref<128x128xf32, #tpu.memory_space<hbm>>) dst(%arg10 : memref<128x128xf32, #tpu.memory_space<vmem>>)
      %run_scoped3A_49 = arith.constant 39 : i32
      "tpu.region"() ({
        %run_scoped3A_50 = tpu.sem_alloc : memref<!tpu.dma_semaphore, #tpu.memory_space<semaphore_mem>>
        %dma_start3A_51 = arith.constant 0 : i32
        %dma_start3A_52 = tpu.memref_slice %arg8[%run_scoped3A_49, %dma_start3A_51] : memref<40x128xi32, #tpu.memory_space<vmem>> -> memref<1x128xi32, #tpu.memory_space<vmem>>
        %dma_start3A_53 = tpu.memref_squeeze %dma_start3A_52 : memref<1x128xi32, #tpu.memory_space<vmem>> -> memref<128xi32, #tpu.memory_space<vmem>>
        %dma_start3A_54 = arith.constant 0 : i32
        %dma_start3A_55 = arith.constant 0 : i32
        %dma_start3A_56 = tpu.memref_slice %arg13[%dma_start3A_54, %dma_start3A_55] : memref<10240x128xf32, #tpu.memory_space<vmem_shared>> -> memref<10240x128xf32, #tpu.memory_space<vmem_shared>>
        tpu.enqueue_indirect_dma source(%arg10 : memref<128x128xf32, #tpu.memory_space<vmem>>) target(%dma_start3A_56 : memref<10240x128xf32, #tpu.memory_space<vmem_shared>>) offsets(%dma_start3A_53 : memref<128xi32, #tpu.memory_space<vmem>>) semaphore(%run_scoped3A_50 : memref<!tpu.dma_semaphore, #tpu.memory_space<semaphore_mem>>) {add = true}
        %dma_wait3A_57 = arith.constant 0 : i32
        %dma_wait3A_58 = tpu.memref_slice %arg8[%run_scoped3A_49, %dma_wait3A_57] : memref<40x128xi32, #tpu.memory_space<vmem>> -> memref<1x128xi32, #tpu.memory_space<vmem>>
        %dma_wait3A_59 = tpu.memref_squeeze %dma_wait3A_58 : memref<1x128xi32, #tpu.memory_space<vmem>> -> memref<128xi32, #tpu.memory_space<vmem>>
        %dma_wait3A_60 = arith.constant 0 : i32
        %dma_wait3A_61 = arith.constant 0 : i32
        %dma_wait3A_62 = tpu.memref_slice %arg13[%dma_wait3A_60, %dma_wait3A_61] : memref<10240x128xf32, #tpu.memory_space<vmem_shared>> -> memref<10240x128xf32, #tpu.memory_space<vmem_shared>>
        tpu.wait_indirect_dma semaphore(%run_scoped3A_50 : memref<!tpu.dma_semaphore, #tpu.memory_space<semaphore_mem>>) src(%arg10 : memref<128x128xf32, #tpu.memory_space<vmem>>) dst(%dma_wait3A_62 : memref<10240x128xf32, #tpu.memory_space<vmem_shared>>)
        tpu.yield
      }) : () -> ()
    } else {
    }
    %barrier3A_10 = arith.constant 0 : index
    tpu.barrier barrier_id(%barrier3A_10)
    %mul3A_11 = arith.constant 640 : i32
    %mul3A_12 = arith.muli %arg1, %mul3A_11 : i32
    %mul3A_13 = arith.constant 640 : i32
    %mul3A_14 = arith.muli %arg1, %mul3A_13 : i32
    "tpu.region"() ({
      %run_scoped3A = tpu.sem_alloc : memref<!tpu.dma_semaphore, #tpu.memory_space<semaphore_mem>>
      %dma_start3A = arith.constant 0 : i32
      %dma_start3A_15 = tpu.memref_slice %arg6[%arg0, %mul3A_14, %dma_start3A] : memref<2x10240x128xf32, #tpu.memory_space<hbm>> -> memref<1x640x128xf32, #tpu.memory_space<hbm>>
      %dma_start3A_16 = tpu.memref_squeeze %dma_start3A_15 : memref<1x640x128xf32, #tpu.memory_space<hbm>> -> memref<640x128xf32, #tpu.memory_space<hbm>>
      %dma_start3A_17 = arith.constant 0 : i32
      %dma_start3A_18 = tpu.memref_slice %arg13[%mul3A_12, %dma_start3A_17] : memref<10240x128xf32, #tpu.memory_space<vmem_shared>> -> memref<640x128xf32, #tpu.memory_space<vmem_shared>>
      tpu.enqueue_dma source(%dma_start3A_18 : memref<640x128xf32, #tpu.memory_space<vmem_shared>>) target(%dma_start3A_16 : memref<640x128xf32, #tpu.memory_space<hbm>>) target_semaphore(%run_scoped3A : memref<!tpu.dma_semaphore, #tpu.memory_space<semaphore_mem>>)
      %dma_wait3A = arith.constant 0 : i32
      %dma_wait3A_19 = tpu.memref_slice %arg6[%arg0, %mul3A_14, %dma_wait3A] : memref<2x10240x128xf32, #tpu.memory_space<hbm>> -> memref<1x640x128xf32, #tpu.memory_space<hbm>>
      %dma_wait3A_20 = tpu.memref_squeeze %dma_wait3A_19 : memref<1x640x128xf32, #tpu.memory_space<hbm>> -> memref<640x128xf32, #tpu.memory_space<hbm>>
      %dma_wait3A_21 = arith.constant 0 : i32
      %dma_wait3A_22 = tpu.memref_slice %arg13[%mul3A_12, %dma_wait3A_21] : memref<10240x128xf32, #tpu.memory_space<vmem_shared>> -> memref<640x128xf32, #tpu.memory_space<vmem_shared>>
      tpu.wait_dma2 semaphore(%run_scoped3A : memref<!tpu.dma_semaphore, #tpu.memory_space<semaphore_mem>>) src(%dma_wait3A_22 : memref<640x128xf32, #tpu.memory_space<vmem_shared>>) dst(%dma_wait3A_20 : memref<640x128xf32, #tpu.memory_space<hbm>>)
      tpu.yield
    }) : () -> ()
    return
  }
}

module attributes {stable_mosaic.version = 14 : i64} {
  func.func @_mm_body(%arg0: i32, %arg1: memref<1024x128xf32, #tpu.memory_space<vmem>>, %arg2: memref<128x128xf32, #tpu.memory_space<vmem>>, %arg3: memref<1024x1xi32, #tpu.memory_space<vmem>>, %arg4: memref<1024x1xi32, #tpu.memory_space<vmem>>, %arg5: memref<1024x128xf32, #tpu.memory_space<vmem>>, %arg6: memref<1024x1xf32, #tpu.memory_space<vmem>>) attributes {dimension_semantics = [#tpu.dimension_semantics<arbitrary>], iteration_bounds = array<i64: 10>, scalar_prefetch = 0 : i64, scratch_operands = 0 : i64, tpu.core_type = #tpu.core_type<tc>, window_params = [{transform_indices = @transform_0, window_bounds = array<i64: 1024, 128>}, {pipeline_mode = #tpu.pipeline_mode<synchronous>, transform_indices = @transform_1, window_bounds = array<i64: 128, 128>}, {transform_indices = @transform_2, window_bounds = array<i64: 1024, 1>}, {transform_indices = @transform_3, window_bounds = array<i64: 1024, 1>}, {transform_indices = @transform_4, window_bounds = array<i64: 1024, 128>}, {transform_indices = @transform_5, window_bounds = array<i64: 1024, 1>}]} {
    %get3A = arith.constant 0 : index
    %get3A_0 = arith.constant 0 : index
    %get3A_1 = vector.load %arg3[%get3A, %get3A_0] : memref<1024x1xi32, #tpu.memory_space<vmem>>, vector<1024x1xi32>
    %get3A_2 = arith.constant 0 : index
    %get3A_3 = arith.constant 0 : index
    %get3A_4 = vector.load %arg4[%get3A_2, %get3A_3] : memref<1024x1xi32, #tpu.memory_space<vmem>>, vector<1024x1xi32>
    %add3A = arith.addi %get3A_1, %get3A_4 : vector<1024x1xi32>
    %convert_element_type3A = arith.sitofp %add3A : vector<1024x1xi32> to vector<1024x1xf32>
    %add3A_5 = arith.constant 1.000000e+00 : f32
    %add3A_6 = vector.broadcast %add3A_5 : f32 to vector<1024x1xf32>
    %add3A_7 = arith.addf %convert_element_type3A, %add3A_6 : vector<1024x1xf32>
    %rsqrt3A = math.rsqrt %add3A_7 : vector<1024x1xf32>
    %get3A_8 = arith.constant 0 : index
    %get3A_9 = arith.constant 0 : index
    %get3A_10 = vector.load %arg1[%get3A_8, %get3A_9] : memref<1024x128xf32, #tpu.memory_space<vmem>>, vector<1024x128xf32>
    %get3A_11 = arith.constant 0 : index
    %get3A_12 = arith.constant 0 : index
    %get3A_13 = vector.load %arg2[%get3A_11, %get3A_12] : memref<128x128xf32, #tpu.memory_space<vmem>>, vector<128x128xf32>
    %dot_general3A = arith.constant dense<0.000000e+00> : vector<1024x128xf32>
    %dot_general3A_14 = tpu.matmul %get3A_10, %get3A_13, %dot_general3A {dimension_numbers = #tpu.dot_dimension_numbers<[1], [0], [0], [1], [0, 0, 1, 1], [], []>, transpose_lhs_hint = false} : vector<1024x128xf32>, vector<128x128xf32>, vector<1024x128xf32> -> vector<1024x128xf32>
    %mul3A = vector.broadcast %rsqrt3A : vector<1024x1xf32> to vector<1024x128xf32>
    %mul3A_15 = arith.mulf %dot_general3A_14, %mul3A : vector<1024x128xf32>
    %swap3A = arith.constant 0 : index
    %swap3A_16 = arith.constant 0 : index
    %swap3A_17 = vector.load %arg5[%swap3A, %swap3A_16] : memref<1024x128xf32, #tpu.memory_space<vmem>>, vector<1024x128xf32>
    tpu.vector_store %arg5[%swap3A, %swap3A_16], %mul3A_15 {strides = array<i32>} : memref<1024x128xf32, #tpu.memory_space<vmem>>, vector<1024x128xf32>,
    %swap3A_18 = arith.constant 0 : index
    %swap3A_19 = arith.constant 0 : index
    %swap3A_20 = vector.load %arg6[%swap3A_18, %swap3A_19] : memref<1024x1xf32, #tpu.memory_space<vmem>>, vector<1024x1xf32>
    tpu.vector_store %arg6[%swap3A_18, %swap3A_19], %rsqrt3A {strides = array<i32>} : memref<1024x1xf32, #tpu.memory_space<vmem>>, vector<1024x1xf32>,
    return
  }
  func.func @transform_0(%arg0: i32) -> (i32, i32) {
    %c0_i32 = arith.constant 0 : i32
    %c0_i32_0 = arith.constant 0 : i32
    return %arg0, %c0_i32 : i32, i32
  }
  func.func @transform_1(%arg0: i32) -> (i32, i32) {
    %c0_i32 = arith.constant 0 : i32
    %c0_i32_0 = arith.constant 0 : i32
    %c0_i32_1 = arith.constant 0 : i32
    return %c0_i32, %c0_i32_0 : i32, i32
  }
  func.func @transform_2(%arg0: i32) -> (i32, i32) {
    %c0_i32 = arith.constant 0 : i32
    %c0_i32_0 = arith.constant 0 : i32
    return %arg0, %c0_i32 : i32, i32
  }
  func.func @transform_3(%arg0: i32) -> (i32, i32) {
    %c0_i32 = arith.constant 0 : i32
    %c0_i32_0 = arith.constant 0 : i32
    return %arg0, %c0_i32 : i32, i32
  }
  func.func @transform_4(%arg0: i32) -> (i32, i32) {
    %c0_i32 = arith.constant 0 : i32
    %c0_i32_0 = arith.constant 0 : i32
    return %arg0, %c0_i32 : i32, i32
  }
  func.func @transform_5(%arg0: i32) -> (i32, i32) {
    %c0_i32 = arith.constant 0 : i32
    %c0_i32_0 = arith.constant 0 : i32
    return %arg0, %c0_i32 : i32, i32
  }
}

module attributes {stable_mosaic.version = 14 : i64} {
  func.func @_fin_body(%arg0: i32, %arg1: memref<1024x128xf32, #tpu.memory_space<vmem>>, %arg2: memref<1024x128xf32, #tpu.memory_space<vmem>>, %arg3: memref<1024x128xf32, #tpu.memory_space<vmem>>, %arg4: memref<1024x1xf32, #tpu.memory_space<vmem>>, %arg5: memref<1x128xf32, #tpu.memory_space<vmem>>, %arg6: memref<1x1xf32, #tpu.memory_space<vmem>>, %arg7: memref<1024x128xf32, #tpu.memory_space<vmem>>) attributes {dimension_semantics = [#tpu.dimension_semantics<arbitrary>], iteration_bounds = array<i64: 10>, scalar_prefetch = 0 : i64, scratch_operands = 0 : i64, tpu.core_type = #tpu.core_type<tc>, window_params = [{transform_indices = @transform_0, window_bounds = array<i64: 1024, 128>}, {transform_indices = @transform_1, window_bounds = array<i64: 1024, 128>}, {transform_indices = @transform_2, window_bounds = array<i64: 1024, 128>}, {transform_indices = @transform_3, window_bounds = array<i64: 1024, 1>}, {pipeline_mode = #tpu.pipeline_mode<synchronous>, transform_indices = @transform_4, window_bounds = array<i64: 1, 128>}, {pipeline_mode = #tpu.pipeline_mode<synchronous>, transform_indices = @transform_5, window_bounds = array<i64: 1, 1>}, {transform_indices = @transform_6, window_bounds = array<i64: 1024, 128>}]} {
    %get3A = arith.constant 0 : index
    %get3A_0 = arith.constant 0 : index
    %get3A_1 = vector.load %arg4[%get3A, %get3A_0] : memref<1024x1xf32, #tpu.memory_space<vmem>>, vector<1024x1xf32>
    %get3A_2 = arith.constant 0 : index
    %get3A_3 = arith.constant 0 : index
    %get3A_4 = vector.load %arg1[%get3A_2, %get3A_3] : memref<1024x128xf32, #tpu.memory_space<vmem>>, vector<1024x128xf32>
    %get3A_5 = arith.constant 0 : index
    %get3A_6 = arith.constant 0 : index
    %get3A_7 = vector.load %arg2[%get3A_5, %get3A_6] : memref<1024x128xf32, #tpu.memory_space<vmem>>, vector<1024x128xf32>
    %add3A = arith.addf %get3A_4, %get3A_7 : vector<1024x128xf32>
    %get3A_8 = arith.constant 0 : index
    %get3A_9 = arith.constant 0 : index
    %get3A_10 = vector.load %arg3[%get3A_8, %get3A_9] : memref<1024x128xf32, #tpu.memory_space<vmem>>, vector<1024x128xf32>
    %add3A_11 = arith.addf %add3A, %get3A_10 : vector<1024x128xf32>
    %mul3A = vector.broadcast %get3A_1 : vector<1024x1xf32> to vector<1024x128xf32>
    %mul3A_12 = arith.mulf %mul3A, %add3A_11 : vector<1024x128xf32>
    %get3A_13 = arith.constant 0 : index
    %get3A_14 = arith.constant 0 : index
    %get3A_15 = vector.load %arg5[%get3A_13, %get3A_14] : memref<1x128xf32, #tpu.memory_space<vmem>>, vector<1x128xf32>
    %add3A_16 = vector.broadcast %get3A_15 : vector<1x128xf32> to vector<1024x128xf32>
    %add3A_17 = arith.addf %mul3A_12, %add3A_16 : vector<1024x128xf32>
    %get3A_18 = arith.constant 0 : index
    %get3A_19 = arith.constant 0 : index
    %get3A_20 = vector.load %arg6[%get3A_18, %get3A_19] : memref<1x1xf32, #tpu.memory_space<vmem>>, vector<1x1xf32>
    %get3A_21 = vector.extract %get3A_20[0, 0] : f32 from vector<1x1xf32>
    %ge3A = arith.constant 0.000000e+00 : f32
    %ge3A_22 = vector.broadcast %ge3A : f32 to vector<1024x128xf32>
    %ge3A_23 = arith.cmpf oge, %add3A_17, %ge3A_22 : vector<1024x128xf32>
    %mul3A_24 = vector.broadcast %get3A_21 : f32 to vector<1024x128xf32>
    %mul3A_25 = arith.mulf %mul3A_24, %add3A_17 : vector<1024x128xf32>
    %select_n3A = arith.select %ge3A_23, %add3A_17, %mul3A_25 : vector<1024x128xi1>, vector<1024x128xf32>
    %swap3A = arith.constant 0 : index
    %swap3A_26 = arith.constant 0 : index
    %swap3A_27 = vector.load %arg7[%swap3A, %swap3A_26] : memref<1024x128xf32, #tpu.memory_space<vmem>>, vector<1024x128xf32>
    tpu.vector_store %arg7[%swap3A, %swap3A_26], %select_n3A {strides = array<i32>} : memref<1024x128xf32, #tpu.memory_space<vmem>>, vector<1024x128xf32>,
    return
  }
  func.func @transform_0(%arg0: i32) -> (i32, i32) {
    %c0_i32 = arith.constant 0 : i32
    %c0_i32_0 = arith.constant 0 : i32
    return %arg0, %c0_i32 : i32, i32
  }
  func.func @transform_1(%arg0: i32) -> (i32, i32) {
    %c0_i32 = arith.constant 0 : i32
    %c0_i32_0 = arith.constant 0 : i32
    return %arg0, %c0_i32 : i32, i32
  }
  func.func @transform_2(%arg0: i32) -> (i32, i32) {
    %c0_i32 = arith.constant 0 : i32
    %c0_i32_0 = arith.constant 0 : i32
    return %arg0, %c0_i32 : i32, i32
  }
  func.func @transform_3(%arg0: i32) -> (i32, i32) {
    %c0_i32 = arith.constant 0 : i32
    %c0_i32_0 = arith.constant 0 : i32
    return %arg0, %c0_i32 : i32, i32
  }
  func.func @transform_4(%arg0: i32) -> (i32, i32) {
    %c0_i32 = arith.constant 0 : i32
    %c0_i32_0 = arith.constant 0 : i32
    %c0_i32_1 = arith.constant 0 : i32
    return %c0_i32, %c0_i32_0 : i32, i32
  }
  func.func @transform_5(%arg0: i32) -> (i32, i32) {
    %c0_i32 = arith.constant 0 : i32
    %c0_i32_0 = arith.constant 0 : i32
    %c0_i32_1 = arith.constant 0 : i32
    return %c0_i32, %c0_i32_0 : i32, i32
  }
  func.func @transform_6(%arg0: i32) -> (i32, i32) {
    %c0_i32 = arith.constant 0 : i32
    %c0_i32_0 = arith.constant 0 : i32
    return %arg0, %c0_i32 : i32, i32
  }
}

</mosaic_0001>

<sc_bundles>
// kernel: kernel.6.cloned.1.call-start
scs
__scs_entry_jumppad:
0x0: {  	(pc) =	sbr.rel $0x88, $3  }
0x1: {  	(tag) =	ssettag $0x0;
	lr =	simm.s32 $0x1  }
0x2: {  	[smem:$0x3F9C] =	sst lr;
	_ =	strace $0xD0000000  }
0x3: {  	_ = 	snop  }
0x4: {  	_ = 	snop  }
0x5: {  	_ = 	snop  }
0x6: {  	_ = 	snop  }
0x7: {  	_ = 	snop  }
__scs_overlays_trampoline_lowered:
0x8: {  	[smem:$0x3FAB] =	sst s0  }
0x9: {  	[smem:$0x3FAC] =	sst s1  }
0xa: {  	[smem:$0x3FAD] =	sst s2  }
0xb: {  	[smem:$0x3FAE] =	sst s3  }
0xc: {  	[smem:$0x3FAF] =	sst s4  }
0xd: {  	[smem:$0x3FB0] =	sst s5  }
0xe: {  	[smem:$0x3FB1] =	sst s6  }
0xf: {  	[smem:$0x3FB2] =	sst s7  }
0x10: {  	[smem:$0x3FB3] =	sst s8  }
0x11: {  	[smem:$0x3FB4] =	sst s9;
	s0 =	simm.s32 @!p0 $0x0  }
0x12: {  	s1 =	sld [smem:$0x3F9A];
	s0 =	simm.s32 @p0 $0x1  }
0x13: {  	[smem:$0x3FB5] =	sst s0;
	s0 =	simm.s32 @!p1 $0x0  }
0x14: {  	s2 =	sld [smem:$0x3F99];
	s0 =	simm.s32 @p1 $0x1  }
0x15: {  	[smem:$0x3FB6] =	sst s0;
	s0 =	simm.s32 @!p2 $0x0  }
0x16: {  	s3 =	sld [smem:$0x3FDB];
	s0 =	simm.s32 @p2 $0x1  }
0x17: {  	s4 =	simm.s32 $0x1BF5;
	[smem:$0x3FB8] =	sst s0  }
0x18: {  	s0 =	sld [smem:$0x3F9B];
	_ =	swait.ge [sflag:s4], $0x0  }
0x19: {  	s7 =	sld [smem:$0x3F9C]  }
0x1a: {  	s8 =	sadd.s32 $0xFFFFE003, lr  }
0x1b: {  	s9 =	sadd.s32 $0xFFFFFEF7, lr;
	s5 =	simm.s32 $0xFFFFFFFF;
	p2 =	slt.u32 s8, $0xFFFFF086  }
0x1c: {  	p1 =	slt.u32 s9, $0xF7A;
	s5 =	simm.s32 @!p2 $0x0  }
0x1d: {  	s5 =	simm.s32 @p1 $0x1;
	p0 =	seq.s32 s7, s2  }
0x1e: {  	s7 =	smul.u32 @!p0 $0xF7A, s2;
	p2 =	seq.s32 @!p0 s5, $0x0  }
0x1f: {  	s9 =	smul.u32 $0xF7A, s1;
	s8 =	simm.s32 @!p0 $0x1BF5;
	p2 =	por !p2, p0  }
0x20: {  	[sflag:s8] =	ssyncset.s32 @!p0 $0xFFFFF086;
	s6 =	sadd.s32 @!p0 s3, s7;
	s7 =	simm.s32 @!p0 $0x108  }
0x21: {  	s3 =	sadd.s32 s3, s9;
	s6 =	sadd.s32 @!p0 $0x88, s6;
	s7 =	simm.s32 @p2 $0x1082  }
0x22: {  	[simem:s7], [sflag:s8] =	dma.local @!p0 [hbm:s6], $0xF7A  }
0x23: {  	s9 =	sor.u32 $0xD0000000, s2;
	s6 =	simm.s32 $0x108;
	_ =	swait.ge @!p0 [sflag:s8], $0x0  }
0x24: {  	s3 =	sadd.s32 $0x88, s3;
	s6 =	simm.s32 @!p1 $0x1082;
	[sflag:s4] =	ssyncset.s32 $0xFFFFF086  }
0x25: {  	[simem:s6], [sflag:s4] =	dma.local [hbm:s3], $0xF7A  }
0x26: {  	[smem:$0x3F9C] =	sst s1;
	(tag) =	ssettag s2;
	_ =	strace s9  }
0x27: {  	s1 =	sld [smem:$0x3FAC]  }
0x28: {  	s2 =	sld [smem:$0x3FAD]  }
0x29: {  	s4 =	sld [smem:$0x3FAF]  }
0x2a: {  	p0 =	seq.s32 s5, $0x0;
	s5 =	sld [smem:$0x3FB0]  }
0x2b: {  	s6 =	sld [smem:$0x3FB1]  }
0x2c: {  	s7 =	sld [smem:$0x3FB2]  }
0x2d: {  	s3 =	simm.s32 $0x108;
	s8 =	sld [smem:$0x3FB3]  }
0x2e: {  	s3 =	simm.s32 @!p0 $0x1082;
	s9 =	sld [smem:$0x3FB4]  }
0x2f: {  	lr =	sadd.s32 s0, s3;
	s0 =	sld [smem:$0x3FAB]  }
0x30: {  	s3 =	sld [smem:$0x3FAE]  }
0x31: {  	[smem:$0x3FB7] =	sst s10  }
0x32: {  	s10 =	sld [smem:$0x3FB5];
	_ =	sdelay $0x3  }
0x33: {  	p0 =	seq.s32 s10, $0x1;
	s10 =	sld [smem:$0x3FB7];
	_ =	sdelay $0x3  }
0x34: {  	[smem:$0x3FB7] =	sst s10  }
0x35: {  	s10 =	sld [smem:$0x3FB6];
	_ =	sdelay $0x3  }
0x36: {  	p1 =	seq.s32 s10, $0x1;
	s10 =	sld [smem:$0x3FB7];
	_ =	sdelay $0x3  }
0x37: {  	[smem:$0x3FB7] =	sst s10  }
0x38: {  	s10 =	sld [smem:$0x3FB8]  }
0x39: {  	_ = 	snop;
	(pc) =	sbr.ind lr, $3  }
0x3a: {  	_ = 	snop  }
0x3b: {  	_ = 	snop  }
0x3c: {  	p2 =	seq.s32 s10, $0x1;
	s10 =	sld [smem:$0x3FB7]  }
0x3d: {  	_ =	shalt  }
0x3e: {  	_ =	shalt  }
0x3f: {  	_ =	shalt  }
0x40: {  	_ =	shalt  }
0x41: {  	_ =	shalt  }
0x42: {  	_ =	shalt  }
0x43: {  	_ =	shalt  }
0x44: {  	_ =	shalt  }
0x45: {  	_ =	shalt  }
0x46: {  	_ =	shalt  }
0x47: {  	_ =	shalt  }
0x48: {  	_ =	shalt  }
0x49: {  	_ =	shalt  }
0x4a: {  	_ =	shalt  }
0x4b: {  	_ =	shalt  }
0x4c: {  	_ =	shalt  }
0x4d: {  	_ =	shalt  }
0x4e: {  	_ =	shalt  }
0x4f: {  	_ =	shalt  }
0x50: {  	_ =	shalt  }
0x51: {  	_ =	shalt  }
0x52: {  	_ =	shalt  }
0x53: {  	_ =	shalt  }
0x54: {  	_ =	shalt  }
0x55: {  	_ =	shalt  }
0x56: {  	_ =	shalt  }
0x57: {  	_ =	shalt  }
0x58: {  	_ =	shalt  }
0x59: {  	_ =	shalt  }
0x5a: {  	_ =	shalt  }
0x5b: {  	_ =	shalt  }
0x5c: {  	_ =	shalt  }
0x5d: {  	_ =	shalt  }
0x5e: {  	_ =	shalt  }
0x5f: {  	_ =	shalt  }
0x60: {  	_ =	shalt  }
0x61: {  	_ =	shalt  }
0x62: {  	_ =	shalt  }
0x63: {  	_ =	shalt  }
0x64: {  	_ =	shalt  }
0x65: {  	_ =	shalt  }
0x66: {  	_ =	shalt  }
0x67: {  	_ =	shalt  }
0x68: {  	_ =	shalt  }
0x69: {  	_ =	shalt  }
0x6a: {  	_ =	shalt  }
0x6b: {  	_ =	shalt  }
0x6c: {  	_ =	shalt  }
0x6d: {  	_ =	shalt  }
0x6e: {  	_ =	shalt  }
0x6f: {  	_ =	shalt  }
0x70: {  	_ =	shalt  }
0x71: {  	_ =	shalt  }
0x72: {  	_ =	shalt  }
0x73: {  	_ =	shalt  }
0x74: {  	_ =	shalt  }
0x75: {  	_ =	shalt  }
0x76: {  	_ =	shalt  }
0x77: {  	_ =	shalt  }
0x78: {  	_ =	shalt  }
0x79: {  	_ =	shalt  }
0x7a: {  	_ =	shalt  }
0x7b: {  	_ =	shalt  }
0x7c: {  	_ =	shalt  }
0x7d: {  	_ =	shalt  }
0x7e: {  	_ =	shalt  }
0x7f: {  	_ =	shalt  }
0x80: {  	_ =	shalt  }
0x81: {  	_ =	shalt  }
0x82: {  	_ =	shalt  }
0x83: {  	_ =	shalt  }
0x84: {  	_ =	shalt  }
0x85: {  	_ =	shalt  }
0x86: {  	_ =	shalt  }
0x87: {  	_ =	shalt  }
.Lfunc_end0:
.L_simem_size_0:
called_computation_lowered:
.L_overlay_start_0:
0x88: {  	s2 =	sld [smem:$0x3FD9]  }
0x89: {  	s3 =	sld [smem:$0x3FFE];
	_ =	sdelay $0x1  }
0x8a: {  	s1 =	srdreg.scid  }
0x8b: {  	s0 =	sand.u32 $0x1, s1  }
0x8c: {  	s17 =	sshll.u32 s0, $0xA;
	s2 =	sadd.s32 s3, s2  }
0x8d: {  	s2 =	sadd.s32 s2, s17  }
0x8e: {  	[smem:$0x3FC3] =	sst s2  }
0x8f: {  	_ = 	snop  }
0x90: {  	s2 =	sld [smem:$0x3FD0];
	(tm) =	ssettm $0x1  }
0x91: {  	s18 =	sld [smem:$0x3FFB];
	_ =	sdelay $0x3  }
0x92: {  	_ =	strace s18  }
0x93: {  	s3 =	sld [smem:$0x3FFC];
	_ =	sdelay $0x3  }
0x94: {  	_ =	strace s3  }
0x95: {  	s3 =	sld [smem:$0x3FFD];
	_ =	sdelay $0x3  }
0x96: {  	_ =	strace s3  }
0x97: {  	_ =	strace $0x8FFFFFFF  }
0x98: {  	s19 =	sld [smem:$0x3FDB];
	_ =	sdelay $0x1  }
0x99: {  	s4 =	simm.s32 $_scs_section_size  }
0x9a: {  	s5 =	simm.s32 $_size__tile_overlayer_lowered;
	s6 =	simm.s32 $_tile_overlayer_lowered  }
0x9b: {  	s22 =	simm.s32 $0x1BFF;
	s21 =	sshll.u32 s6, $0x1;
	s3 =	sadd.s32 s4, s19  }
0x9c: {  	s7 =	simm.s32 $0x0;
	s20 =	sshll.u32 s5, $0x1;
	s5 =	sadd.s32 s21, s3  }
0x9d: {  	[timem:s7], [sflag:s22] =	dma.local [hbm:s5], s20  }
0x9e: {  	_ =	swait.ge [sflag:s22], s20  }
0x9f: {  	s4 =	ssub.s32 $0x0, s20;
	[sflag:s22] =	ssyncset.done $0x0  }
0xa0: {  	[sflag:s22] =	ssyncadd.s32 s4;
	_ =	sdelay $0x1  }
0xa1: {  	s23 =	simm.s32 $0x1B8B  }
0xa2: {  	_ =	swait.ge [sflag:s23], $0x1  }
0xa3: {  	[sflag:s23] =	ssyncset.done $0x0  }
0xa4: {  	s25 =	simm.s32 $0x1B8E;
	s24 =	sld [smem:$0x3FFE];
	[sflag:s23] =	ssyncadd.s32 $0xFFFFFFFF  }
0xa5: {  	s26 =	simm.s32 $execute0_lowered;
	[smem:$0x3FD2] =	sst s25  }
0xa6: {  	s5 =	sshll.u32 s26, $0x1;
	_ =	strace $0x80000046;
	[dreg:$0x1] =	wrdreg $0xFFFFFFFF  }
0xa7: {  	s28 =	simm.s32 $_size_execute0_lowered;
	s3 =	sadd.s32 s3, s5;
	[dreg:$0x0] =	wrdreg $0x0  }
0xa8: {  	s5 =	sshll.u32 s28, $0x1;
	[dreg:$0x2] =	wrdreg s3  }
0xa9: {  	[dreg:$0x3] =	wrdreg s5  }
0xaa: {  	[dreg:$0x4] =	wrdreg $0xC0  }
0xab: {  	_ =	task [dreg:s7], $0x5FFFF  }
0xac: {  	[dreg:$0x1] =	wrdreg $0xFFFFFFFF  }
0xad: {  	[dreg:$0x0] =	wrdreg $0x60  }
0xae: {  	[dreg:$0x2] =	wrdreg s2  }
0xaf: {  	[dreg:$0x3] =	wrdreg s24  }
0xb0: {  	[dreg:$0x4] =	wrdreg $0x50800  }
0xb1: {  	[dreg:$0x5] =	wrdreg $0x9  }
0xb2: {  	_ =	task.clear_ibuf [dreg:s7], $0x6FFFF;
	_ =	strace $0x90000046  }
0xb3: {  	s29 =	simm.s32 $0x9;
	_ =	strace $0x80000048  }
0xb4: {  	_ =	swait.ge [sflag:s29], $0x1  }
0xb5: {  	[sflag:s29] =	ssyncadd.s32 $0xFFFFFFFF  }
0xb6: {  	_ =	strace $0x90000048  }
0xb7: {  	_ =	sfence  }
0xb8: {  	s30 =	sld [smem:$0x0];
	_ =	sdelay $0x2  }
0xb9: {  	s31 =	sshll.u32 s1, $0xD;
	s1 =	sshrl.u32 s1, $0x2  }
0xba: {  	s3 =	sand.u32 $0x4000, s31;
	s1 =	sadd.s32 s1, s30  }
0xbb: {  	s0 =	sor.u32 s3, s0;
	s1 =	sshll.u32 s1, $0x11  }
0xbc: {  	s0 =	sor.u32 s1, s0  }
0xbd: {  	s0 =	sadd.s32 $0x8F2B, s0  }
0xbe: {  	[sflag:s0] =	ssyncadd.remote.s32 $0x1  }
0xbf: {  	_ =	sfence.sel $0xFFFF  }
0xc0: {  	[dreg:$0x0] =	wrdreg $0xFFFFFFFF;
	(pc) =	sbr.abs _section_cstart, $3  }
0xc1: {  	[dreg:$0x1] =	wrdreg $0xFFFFFFFF  }
0xc2: {  	_ =	task.clear_ibuf [dreg:s7], $0x2FFFF;
	_ =	strace $0x9FFFFFFF  }
0xc3: {  	(tm) =	ssettm $0x7FFFFFFF  }
tec
execute0_lowered:
.L_overlay_start_1:
0x0: {  	(tag) =	ssettag $0x1  }
0x1: {  	s4 =	rddreg [dreg:$0x0]  }
0x2: {  	s5 =	rddreg [dreg:$0x1]  }
0x3: {  	s2 =	rddreg [dreg:$0x2];
	s3 =	srdreg.scid  }
0x4: {  	s0 =	rddreg [dreg:$0x3];
	s1 =	stileid.u32;
	s12 =	simm.s32 $0x5000  }
0x5: {  	s15 =	simm.s32 $0x0;
	s6 =	sand.u32 $0x1, s3;
	s3 =	simm.s32 $0x0  }
0x6: {  	s8 =	sshll.u32 s1, $0x1;
	s9 =	sshll.u32 s1, $0xA;
	s11 =	smul.u32 $0x280, s1  }
0x7: {  	p0 =	sgt.u32 s1, $0x9;
	s7 =	smul.u32 $0x2800, s6;
	[smem:$0x7FF] =	sst s3  }
0x8: {  	s8 =	sor.u32 s6, s8;
	s6 =	ssub.s32 $0x2, s6;
	s14 =	sadd.s32 s9, s2  }
0x9: {  	s13 =	sshll.u32 @!p0 s1, $0x6;
	s8 =	smul.u32 $0x500, s8;
	s10 =	sshrl.u32 s6, $0x1  }
0xa: {  	_ =	strace $0x80000047;
	s13 =	sor.u32 @!p0 $0x1C01, s13;
	s14 =	sshrl.u32 @!p0 s14, $0x3  }
0xb: {  	s7 =	sadd.s32 s9, s7;
	s10 =	ssub.s32 s6, s10;
	s6 =	sadd.s32 $0x2800, s11  }
0xc: {  	v0 =	vlaneseq.u32;
	s9 =	simm.s32 $0x1;
	s7 =	sshrl.u32 s7, $0x3;
	s4 =	sadd.s32 s4, s8  }
0xd: {  	v1 =	vimm.s32 $0x0;
	v6 =	vimm.s32 $0x1;
	v2 =	vor.u32 $0x10, v0;
	s8 =	smax.u32 s10, $0x1;
	s10 =	simm.s32 $0x2800;
	s7 =	sadd.s32 s7, s5  }
0xe: {  	v3 =	vor.u32 $0x20, v0;
	v4 =	vor.u32 $0x30, v0;
	v5 =	vor.u32 $0x40, v0;
	s5 =	sadd.s32 s11, s2;
	s11 =	simm.s32 $0x50;
	s7 =	sadd.s32 $0xC000, s7  }
.LBB2_1:
0xf: {  	[tilespmem:s3], [sflag:$0x1] =	stream.linear.gather [hbm4b:s4+s3], $0x2800, $0x38;
	[tilespmem:$0x5300] =	vst v63  }
0x10: {  	_ =	swait.ge [sflag:s9], $0x2800  }
0x11: {  	[sflag:s9] =	ssyncset.done $0x0  }
0x12: {  	s16 =	simm.s32 $0x10;
	s17 =	sand.u32 $0x3FF0, s3;
	[sflag:s9] =	ssyncadd.s32 $0xFFFFD800  }
.LBB2_2:
0x13: {  	p1 =	sne.s32 s16, $0x27F0;
	[tilespmem:s17+$0x2800] =	vst v1;
	s17 =	smov.u32 s16;
	s16 =	sadd.s32 $0x10, s16  }
.Ltmp0:
0x14: {  	(pc) =	sbr.rel @p1 .LBB2_2-.Ltmp0, $2  }
0x15: {  	_ =	sdelay $0x2  }
0x16: {  	s17 =	sand.u32 $0x3FF0, s17  }
0x17: {  	[tilespmem:s17+$0x2800] =	vst v1  }
0x18: {  	[tilespmem:$0x5000] =	vst v0  }
0x19: {  	[tilespmem:$0x5010] =	vst v2  }
0x1a: {  	[tilespmem:$0x5020] =	vst v3  }
0x1b: {  	[tilespmem:$0x5030] =	vst v4  }
0x1c: {  	[tilespmem:$0x5040] =	vst v5  }
0x1d: {  	[spmem:s5] =	stream.linear.scatter [tilespmem:s6], [sflag:$0x1], $0x280, $0x38;
	[tilespmem:$0x5300] =	vst v63  }
0x1e: {  	_ =	swait.ge [sflag:s9], $0x280  }
0x1f: {  	s16 =	simm.s32 $0x0;
	[sflag:s9] =	ssyncset.done $0x0  }
0x20: {  	s17 =	sand.u32 $0x3FF0, s16;
	s16 =	simm.s32 $0x10;
	[sflag:s9] =	ssyncadd.s32 $0xFFFFFD80  }
.LBB2_4:
0x21: {  	p1 =	sne.s32 s16, $0x27F0;
	v7 =	vld [tilespmem:s17+$0x0];
	_ =	sdelay $0x3  }
.Ltmp1:
0x22: {  	(pc) =	sbr.rel @p1 .LBB2_4-.Ltmp1, $2  }
0x23: {  	_ =	sdelay $0x2  }
0x24: {  	s17 =	sand.u32 $0x3FF0, s16;
	s16 =	sadd.s32 $0x10, s16;
	[tilespmem:v7+s10+$0x0] =	vst.idx.add.s32.msk $0xffff, v6  }
0x25: {  	v7 =	vld [tilespmem:s17+$0x0];
	_ =	sdelay $0x7  }
0x26: {  	[tilespmem:v7+s10+$0x0] =	vst.idx.add.s32.msk $0xffff, v6  }
0x27: {  	[bflag:$0x0] =	sbarrier.arrive $0xFFFF  }
0x28: {  	[spmem:s2] =	stream.indirect.scatter.add.s32 [tilespmem:s10], [sflag:$0x1], $0x80, s12, s11, $0xb8;
	[tilespmem:$0x5300] =	vst v63  }
0x29: {  	_ =	swait.ge [sflag:s9], $0x2800  }
0x2a: {  	s15 =	sadd.s32 $0x1, s15;
	[sflag:s9] =	ssyncset.done $0x0  }
0x2b: {  	p1 =	sne.s32 s15, s8;
	[sflag:s9] =	ssyncadd.s32 $0xFFFFD800  }
.Ltmp2:
0x2c: {  	s16 =	simm.s32 @!p0 $0x1;
	[bflag:$0x0] =	sbarrier.arrive $0xFFFF;
	(pc) =	sbr.rel @p1 .LBB2_1-.Ltmp2, $4  }
0x2d: {  	[hbm:s7], [sflag:s13] =	dma.local @!p0 [spmem:s14], $0x80  }
0x2e: {  	_ =	swait.ge @!p0 [sflag:s16], $0x80  }
0x2f: {  	[sflag:s16] =	ssyncset.done @!p0 $0x0  }
0x30: {  	[sflag:s16] =	ssyncadd.s32 @!p0 $0xFFFFFF80  }
0x31: {  	_ =	sfence.sel $0x180000  }
0x32: {  	[bflag:$0x0] =	sbarrier.arrive $0xFFFF  }
0x33: {  	p0 =	sne.s32 s1, $0x0;
	_ =	strace $0x90000047  }
0x34: {  	s0 =	sadd.s32 @!p0 $0x100000, s0;
	[bflag:$0x2] =	sbarrier.arrive $0xFFFF  }
0x35: {  	[sflag:s0] =	ssyncadd.tile.s32 @!p0 $0x1;
	_ =	shalt  }
.Lfunc_end2:
_tile_overlayer_lowered:
.L_overlay_start_2:
0x36: {  	(tag) =	ssettag $0x2  }
0x37: {  	s0 =	rddreg [dreg:$0x0];
	s2 =	stileid.u32  }
0x38: {  	s1 =	rddreg [dreg:$0x1];
	p0 =	sne.s32 s2, $0x0  }
0x39: {  	s3 =	rddreg [dreg:$0x2];
	[bflag:$0x3] =	sbarrier.arrive $0xFFFF;
	s2 =	simm.s32 @!p0 $0x1C01  }
0x3a: {  	[timem:s3], [sflag:s2] =	dma.local @!p0 [hbm:s0], s1  }
0x3b: {  	s0 =	simm.s32 @!p0 $0x1  }
0x3c: {  	_ =	swait.ge @!p0 [sflag:s0], s1  }
0x3d: {  	s1 =	ssub.s32 @!p0 $0x0, s1;
	[sflag:s0] =	ssyncset.done @!p0 $0x0  }
0x3e: {  	[sflag:s0] =	ssyncadd.s32 @!p0 s1  }
0x3f: {  	[bflag:$0x3] =	sbarrier.arrive $0xFFFF  }
0x40: {  	_ =	shalt  }

// kernel: kernel.9.cloned.1.call-start
scs
__scs_entry_jumppad:
0x0: {  	(pc) =	sbr.rel $0x88, $3  }
0x1: {  	(tag) =	ssettag $0x0;
	lr =	simm.s32 $0x1  }
0x2: {  	[smem:$0x3F9C] =	sst lr;
	_ =	strace $0xD0000000  }
0x3: {  	_ = 	snop  }
0x4: {  	_ = 	snop  }
0x5: {  	_ = 	snop  }
0x6: {  	_ = 	snop  }
0x7: {  	_ = 	snop  }
__scs_overlays_trampoline_lowered:
0x8: {  	[smem:$0x3FAB] =	sst s0  }
0x9: {  	[smem:$0x3FAC] =	sst s1  }
0xa: {  	[smem:$0x3FAD] =	sst s2  }
0xb: {  	[smem:$0x3FAE] =	sst s3  }
0xc: {  	[smem:$0x3FAF] =	sst s4  }
0xd: {  	[smem:$0x3FB0] =	sst s5  }
0xe: {  	[smem:$0x3FB1] =	sst s6  }
0xf: {  	[smem:$0x3FB2] =	sst s7  }
0x10: {  	[smem:$0x3FB3] =	sst s8  }
0x11: {  	[smem:$0x3FB4] =	sst s9;
	s0 =	simm.s32 @!p0 $0x0  }
0x12: {  	s1 =	sld [smem:$0x3F9A];
	s0 =	simm.s32 @p0 $0x1  }
0x13: {  	[smem:$0x3FB5] =	sst s0;
	s0 =	simm.s32 @!p1 $0x0  }
0x14: {  	s2 =	sld [smem:$0x3F99];
	s0 =	simm.s32 @p1 $0x1  }
0x15: {  	[smem:$0x3FB6] =	sst s0;
	s0 =	simm.s32 @!p2 $0x0  }
0x16: {  	s3 =	sld [smem:$0x3FDB];
	s0 =	simm.s32 @p2 $0x1  }
0x17: {  	s4 =	simm.s32 $0x1BF5;
	[smem:$0x3FB8] =	sst s0  }
0x18: {  	s0 =	sld [smem:$0x3F9B];
	_ =	swait.ge [sflag:s4], $0x0  }
0x19: {  	s7 =	sld [smem:$0x3F9C]  }
0x1a: {  	s8 =	sadd.s32 $0xFFFFE003, lr  }
0x1b: {  	s9 =	sadd.s32 $0xFFFFFEF7, lr;
	s5 =	simm.s32 $0xFFFFFFFF;
	p2 =	slt.u32 s8, $0xFFFFF086  }
0x1c: {  	p1 =	slt.u32 s9, $0xF7A;
	s5 =	simm.s32 @!p2 $0x0  }
0x1d: {  	s5 =	simm.s32 @p1 $0x1;
	p0 =	seq.s32 s7, s2  }
0x1e: {  	s7 =	smul.u32 @!p0 $0xF7A, s2;
	p2 =	seq.s32 @!p0 s5, $0x0  }
0x1f: {  	s9 =	smul.u32 $0xF7A, s1;
	s8 =	simm.s32 @!p0 $0x1BF5;
	p2 =	por !p2, p0  }
0x20: {  	[sflag:s8] =	ssyncset.s32 @!p0 $0xFFFFF086;
	s6 =	sadd.s32 @!p0 s3, s7;
	s7 =	simm.s32 @!p0 $0x108  }
0x21: {  	s3 =	sadd.s32 s3, s9;
	s6 =	sadd.s32 @!p0 $0x88, s6;
	s7 =	simm.s32 @p2 $0x1082  }
0x22: {  	[simem:s7], [sflag:s8] =	dma.local @!p0 [hbm:s6], $0xF7A  }
0x23: {  	s9 =	sor.u32 $0xD0000000, s2;
	s6 =	simm.s32 $0x108;
	_ =	swait.ge @!p0 [sflag:s8], $0x0  }
0x24: {  	s3 =	sadd.s32 $0x88, s3;
	s6 =	simm.s32 @!p1 $0x1082;
	[sflag:s4] =	ssyncset.s32 $0xFFFFF086  }
0x25: {  	[simem:s6], [sflag:s4] =	dma.local [hbm:s3], $0xF7A  }
0x26: {  	[smem:$0x3F9C] =	sst s1;
	(tag) =	ssettag s2;
	_ =	strace s9  }
0x27: {  	s1 =	sld [smem:$0x3FAC]  }
0x28: {  	s2 =	sld [smem:$0x3FAD]  }
0x29: {  	s4 =	sld [smem:$0x3FAF]  }
0x2a: {  	p0 =	seq.s32 s5, $0x0;
	s5 =	sld [smem:$0x3FB0]  }
0x2b: {  	s6 =	sld [smem:$0x3FB1]  }
0x2c: {  	s7 =	sld [smem:$0x3FB2]  }
0x2d: {  	s3 =	simm.s32 $0x108;
	s8 =	sld [smem:$0x3FB3]  }
0x2e: {  	s3 =	simm.s32 @!p0 $0x1082;
	s9 =	sld [smem:$0x3FB4]  }
0x2f: {  	lr =	sadd.s32 s0, s3;
	s0 =	sld [smem:$0x3FAB]  }
0x30: {  	s3 =	sld [smem:$0x3FAE]  }
0x31: {  	[smem:$0x3FB7] =	sst s10  }
0x32: {  	s10 =	sld [smem:$0x3FB5];
	_ =	sdelay $0x3  }
0x33: {  	p0 =	seq.s32 s10, $0x1;
	s10 =	sld [smem:$0x3FB7];
	_ =	sdelay $0x3  }
0x34: {  	[smem:$0x3FB7] =	sst s10  }
0x35: {  	s10 =	sld [smem:$0x3FB6];
	_ =	sdelay $0x3  }
0x36: {  	p1 =	seq.s32 s10, $0x1;
	s10 =	sld [smem:$0x3FB7];
	_ =	sdelay $0x3  }
0x37: {  	[smem:$0x3FB7] =	sst s10  }
0x38: {  	s10 =	sld [smem:$0x3FB8]  }
0x39: {  	_ = 	snop;
	(pc) =	sbr.ind lr, $3  }
0x3a: {  	_ = 	snop  }
0x3b: {  	_ = 	snop  }
0x3c: {  	p2 =	seq.s32 s10, $0x1;
	s10 =	sld [smem:$0x3FB7]  }
0x3d: {  	_ =	shalt  }
0x3e: {  	_ =	shalt  }
0x3f: {  	_ =	shalt  }
0x40: {  	_ =	shalt  }
0x41: {  	_ =	shalt  }
0x42: {  	_ =	shalt  }
0x43: {  	_ =	shalt  }
0x44: {  	_ =	shalt  }
0x45: {  	_ =	shalt  }
0x46: {  	_ =	shalt  }
0x47: {  	_ =	shalt  }
0x48: {  	_ =	shalt  }
0x49: {  	_ =	shalt  }
0x4a: {  	_ =	shalt  }
0x4b: {  	_ =	shalt  }
0x4c: {  	_ =	shalt  }
0x4d: {  	_ =	shalt  }
0x4e: {  	_ =	shalt  }
0x4f: {  	_ =	shalt  }
0x50: {  	_ =	shalt  }
0x51: {  	_ =	shalt  }
0x52: {  	_ =	shalt  }
0x53: {  	_ =	shalt  }
0x54: {  	_ =	shalt  }
0x55: {  	_ =	shalt  }
0x56: {  	_ =	shalt  }
0x57: {  	_ =	shalt  }
0x58: {  	_ =	shalt  }
0x59: {  	_ =	shalt  }
0x5a: {  	_ =	shalt  }
0x5b: {  	_ =	shalt  }
0x5c: {  	_ =	shalt  }
0x5d: {  	_ =	shalt  }
0x5e: {  	_ =	shalt  }
0x5f: {  	_ =	shalt  }
0x60: {  	_ =	shalt  }
0x61: {  	_ =	shalt  }
0x62: {  	_ =	shalt  }
0x63: {  	_ =	shalt  }
0x64: {  	_ =	shalt  }
0x65: {  	_ =	shalt  }
0x66: {  	_ =	shalt  }
0x67: {  	_ =	shalt  }
0x68: {  	_ =	shalt  }
0x69: {  	_ =	shalt  }
0x6a: {  	_ =	shalt  }
0x6b: {  	_ =	shalt  }
0x6c: {  	_ =	shalt  }
0x6d: {  	_ =	shalt  }
0x6e: {  	_ =	shalt  }
0x6f: {  	_ =	shalt  }
0x70: {  	_ =	shalt  }
0x71: {  	_ =	shalt  }
0x72: {  	_ =	shalt  }
0x73: {  	_ =	shalt  }
0x74: {  	_ =	shalt  }
0x75: {  	_ =	shalt  }
0x76: {  	_ =	shalt  }
0x77: {  	_ =	shalt  }
0x78: {  	_ =	shalt  }
0x79: {  	_ =	shalt  }
0x7a: {  	_ =	shalt  }
0x7b: {  	_ =	shalt  }
0x7c: {  	_ =	shalt  }
0x7d: {  	_ =	shalt  }
0x7e: {  	_ =	shalt  }
0x7f: {  	_ =	shalt  }
0x80: {  	_ =	shalt  }
0x81: {  	_ =	shalt  }
0x82: {  	_ =	shalt  }
0x83: {  	_ =	shalt  }
0x84: {  	_ =	shalt  }
0x85: {  	_ =	shalt  }
0x86: {  	_ =	shalt  }
0x87: {  	_ =	shalt  }
.Lfunc_end0:
.L_simem_size_0:
called_computation.1_lowered:
.L_overlay_start_0:
0x88: {  	s2 =	sld [smem:$0x3FD9]  }
0x89: {  	s3 =	sld [smem:$0x3FFE];
	_ =	sdelay $0x1  }
0x8a: {  	s1 =	srdreg.scid  }
0x8b: {  	s0 =	sand.u32 $0x1, s1  }
0x8c: {  	s17 =	sshll.u32 s0, $0xA;
	s2 =	sadd.s32 s3, s2  }
0x8d: {  	s2 =	sadd.s32 s2, s17  }
0x8e: {  	[smem:$0x3FC3] =	sst s2  }
0x8f: {  	_ = 	snop  }
0x90: {  	s2 =	sld [smem:$0x3FD0];
	(tm) =	ssettm $0x1  }
0x91: {  	s18 =	sld [smem:$0x3FFB];
	_ =	sdelay $0x3  }
0x92: {  	_ =	strace s18  }
0x93: {  	s3 =	sld [smem:$0x3FFC];
	_ =	sdelay $0x3  }
0x94: {  	_ =	strace s3  }
0x95: {  	s3 =	sld [smem:$0x3FFD];
	_ =	sdelay $0x3  }
0x96: {  	_ =	strace s3  }
0x97: {  	_ =	strace $0x8FFFFFFF  }
0x98: {  	s19 =	sld [smem:$0x3FDB];
	_ =	sdelay $0x1  }
0x99: {  	s4 =	simm.s32 $_scs_section_size  }
0x9a: {  	s5 =	simm.s32 $_size__tile_overlayer_lowered;
	s6 =	simm.s32 $_tile_overlayer_lowered  }
0x9b: {  	s22 =	simm.s32 $0x1BFF;
	s21 =	sshll.u32 s6, $0x1;
	s3 =	sadd.s32 s4, s19  }
0x9c: {  	s7 =	simm.s32 $0x0;
	s20 =	sshll.u32 s5, $0x1;
	s5 =	sadd.s32 s21, s3  }
0x9d: {  	[timem:s7], [sflag:s22] =	dma.local [hbm:s5], s20  }
0x9e: {  	_ =	swait.ge [sflag:s22], s20  }
0x9f: {  	s4 =	ssub.s32 $0x0, s20;
	[sflag:s22] =	ssyncset.done $0x0  }
0xa0: {  	[sflag:s22] =	ssyncadd.s32 s4;
	_ =	sdelay $0x1  }
0xa1: {  	s23 =	simm.s32 $0x1B8B  }
0xa2: {  	_ =	swait.ge [sflag:s23], $0x1  }
0xa3: {  	[sflag:s23] =	ssyncset.done $0x0  }
0xa4: {  	s25 =	simm.s32 $0x1B8E;
	s24 =	sld [smem:$0x3FFE];
	[sflag:s23] =	ssyncadd.s32 $0xFFFFFFFF  }
0xa5: {  	s26 =	simm.s32 $execute0_lowered;
	[smem:$0x3FD2] =	sst s25  }
0xa6: {  	s5 =	sshll.u32 s26, $0x1;
	_ =	strace $0x80000049;
	[dreg:$0x1] =	wrdreg $0xFFFFFFFF  }
0xa7: {  	s28 =	simm.s32 $_size_execute0_lowered;
	s3 =	sadd.s32 s3, s5;
	[dreg:$0x0] =	wrdreg $0x0  }
0xa8: {  	s5 =	sshll.u32 s28, $0x1;
	[dreg:$0x2] =	wrdreg s3  }
0xa9: {  	[dreg:$0x3] =	wrdreg s5  }
0xaa: {  	[dreg:$0x4] =	wrdreg $0xC0  }
0xab: {  	_ =	task [dreg:s7], $0x5FFFF  }
0xac: {  	[dreg:$0x1] =	wrdreg $0xFFFFFFFF  }
0xad: {  	[dreg:$0x0] =	wrdreg $0x60  }
0xae: {  	[dreg:$0x2] =	wrdreg s24  }
0xaf: {  	[dreg:$0x3] =	wrdreg s2  }
0xb0: {  	[dreg:$0x4] =	wrdreg $0xA8000  }
0xb1: {  	[dreg:$0x5] =	wrdreg $0x9  }
0xb2: {  	_ =	task.clear_ibuf [dreg:s7], $0x6FFFF;
	_ =	strace $0x90000049  }
0xb3: {  	s29 =	simm.s32 $0x9;
	_ =	strace $0x8000004B  }
0xb4: {  	_ =	swait.ge [sflag:s29], $0x1  }
0xb5: {  	[sflag:s29] =	ssyncadd.s32 $0xFFFFFFFF  }
0xb6: {  	_ =	strace $0x9000004B  }
0xb7: {  	_ =	sfence  }
0xb8: {  	s30 =	sld [smem:$0x0];
	_ =	sdelay $0x2  }
0xb9: {  	s31 =	sshll.u32 s1, $0xD;
	s1 =	sshrl.u32 s1, $0x2  }
0xba: {  	s3 =	sand.u32 $0x4000, s31;
	s1 =	sadd.s32 s1, s30  }
0xbb: {  	s0 =	sor.u32 s3, s0;
	s1 =	sshll.u32 s1, $0x11  }
0xbc: {  	s0 =	sor.u32 s1, s0  }
0xbd: {  	s0 =	sadd.s32 $0x8F2B, s0  }
0xbe: {  	[sflag:s0] =	ssyncadd.remote.s32 $0x1  }
0xbf: {  	_ =	sfence.sel $0xFFFF  }
0xc0: {  	[dreg:$0x0] =	wrdreg $0xFFFFFFFF;
	(pc) =	sbr.abs _section_cstart, $3  }
0xc1: {  	[dreg:$0x1] =	wrdreg $0xFFFFFFFF  }
0xc2: {  	_ =	task.clear_ibuf [dreg:s7], $0x2FFFF;
	_ =	strace $0x9FFFFFFF  }
0xc3: {  	(tm) =	ssettm $0x7FFFFFFF  }
tec
execute0_lowered:
.L_overlay_start_1:
0x0: {  	(tag) =	ssettag $0x1  }
0x1: {  	s5 =	rddreg [dreg:$0x0]  }
0x2: {  	s14 =	rddreg [dreg:$0x1]  }
0x3: {  	s2 =	rddreg [dreg:$0x2]  }
0x4: {  	s0 =	rddreg [dreg:$0x3]  }
0x5: {  	s3 =	simm.s32 $0x0;
	s1 =	stileid.u32;
	s4 =	srdreg.scid  }
0x6: {  	s20 =	simm.s32 $0x80;
	s21 =	simm.s32 $0x2800;
	s6 =	smul.u32 $0x14000, s1  }
0x7: {  	s22 =	simm.s32 $0x6800;
	s23 =	simm.s32 $0x1;
	s10 =	smul.u32 $0x50000, s1  }
0x8: {  	[smem:$0x7FF] =	sst s3;
	s7 =	sand.u32 $0x1, s4;
	s28 =	smul.u32 $0x3C00, s1  }
0x9: {  	s4 =	sadd.s32 $0x34000, s5;
	s13 =	sadd.s32 $0x2000, s5;
	s29 =	smul.u32 $0x780, s1  }
0xa: {  	s26 =	sshll.u32 s1, $0x6;
	s31 =	smul.u32 $0x1400, s1;
	_ =	strace $0x8000004A  }
0xb: {  	s8 =	smul.u32 $0x140000, s7;
	s24 =	ssub.s32 $0x2, s7;
	p0 =	seq.s32 s7, $0x1  }
0xc: {  	s9 =	sshrl.u32 s6, $0x3;
	s11 =	sshrl.u32 s24, $0x1;
	s25 =	sshrl.u32 s10, $0x2  }
0xd: {  	s30 =	sshrl.u32 s28, $0x3;
	s7 =	sadd.s32 s13, s29;
	s19 =	sshrl.u32 s31, $0x3  }
0xe: {  	s6 =	sadd.s32 s6, s8;
	s9 =	sadd.s32 s9, s5;
	s16 =	ssub.s32 s24, s11  }
0xf: {  	s17 =	sadd.s32 s25, s2;
	s8 =	sadd.s32 s14, s29;
	s12 =	sadd.s32 $0x280, s30  }
0x10: {  	s18 =	sadd.s32 $0x500, s30;
	s19 =	sadd.s32 $0x7800, s19;
	s24 =	simm.s32 $0x2  }
0x11: {  	s25 =	simm.s32 $0x2700;
	s6 =	sshrl.u32 s6, $0x3;
	s10 =	sadd.s32 s14, s12  }
.Ltmp0:
0x12: {  	s11 =	sadd.s32 s13, s18;
	s16 =	smax.u32 s16, $0x1;
	(pc) =	sbr.rel .LBB2_1-.Ltmp0, $4  }
0x13: {  	s17 =	sshrl.u32 s17, $0x3;
	s15 =	sadd.s32 s6, s5;
	s5 =	sadd.s32 $0x5C000, s9  }
0x14: {  	s6 =	sor.u32 $0x1C03, s26;
	s9 =	sadd.s32 s13, s12;
	s12 =	sadd.s32 s14, s18  }
0x15: {  	s13 =	sadd.s32 s13, s19;
	s14 =	sadd.s32 s14, s19;
	s18 =	simm.s32 $0x3  }
0x16: {  	s19 =	simm.s32 $0x1400;
	s26 =	simm.s32 $0x2780;
	s15 =	sadd.s32 $0x84000, s15  }
.LBB2_11:
0x17: {  	[tilespmem:s22], [sflag:$0x2] =	stream.indirect.gather [hbm4b:s4+s20], $0x80, s29, s20, $0xb8;
	[tilespmem:$0x1E800] =	vst v63  }
.LBB2_12:
0x18: {  	_ =	swait.ge [sflag:s23], $0x4000  }
0x19: {  	[sflag:s23] =	ssyncset.done $0x0  }
0x1a: {  	[sflag:s23] =	ssyncadd.s32 $0xFFFFC000  }
0x1b: {  	[spmem:s2] =	stream.indirect.scatter.add.f32 [tilespmem:s21], [sflag:$0x3], $0x80, s25, s20, $0xb8;
	[tilespmem:$0x1E800] =	vst v63  }
0x1c: {  	_ =	swait.ge [sflag:s18], $0x4000  }
0x1d: {  	[sflag:s18] =	ssyncset.done $0x0  }
0x1e: {  	[sflag:s18] =	ssyncadd.s32 $0xFFFFC000  }
0x1f: {  	_ =	swait.ge [sflag:s24], $0x4000  }
0x20: {  	[sflag:s24] =	ssyncset.done $0x0  }
0x21: {  	[sflag:s24] =	ssyncadd.s32 $0xFFFFC000  }
0x22: {  	[spmem:s2] =	stream.indirect.scatter.add.f32 [tilespmem:s22], [sflag:$0x3], $0x80, s26, s20, $0xb8;
	[tilespmem:$0x1E800] =	vst v63  }
0x23: {  	_ =	swait.ge [sflag:s18], $0x4000  }
0x24: {  	s3 =	sadd.s32 $0x1, s3;
	[sflag:s18] =	ssyncset.done $0x0  }
0x25: {  	p1 =	sne.s32 s3, s16;
	[sflag:s18] =	ssyncadd.s32 $0xFFFFC000  }
.Ltmp1:
0x26: {  	[bflag:$0x0] =	sbarrier.arrive $0xFFFF;
	(pc) =	sbr.rel @!p1 .LBB2_13-.Ltmp1, $4  }
0x27: {  	[hbm:s15], [sflag:s6] =	dma.local [spmem:s17], $0x2800  }
0x28: {  	_ =	swait.ge [sflag:s18], $0x2800  }
0x29: {  	[sflag:s18] =	ssyncset.done $0x0  }
0x2a: {  	[sflag:s18] =	ssyncadd.s32 $0xFFFFD800  }
.LBB2_1:
0x2b: {  	[spmem:s17], [sflag:s6] =	dma.local [hbm:s5], $0x2800  }
.Ltmp2:
0x2c: {  	_ =	swait.ge [sflag:s18], $0x2800;
	(pc) =	sbr.rel @!p0 .LBB2_2-.Ltmp2, $4  }
0x2d: {  	[sflag:s18] =	ssyncset.done $0x0  }
0x2e: {  	[sflag:s18] =	ssyncadd.s32 $0xFFFFD800  }
0x2f: {  	[bflag:$0x0] =	sbarrier.arrive $0xFFFF  }
0x30: {  	s28 =	simm.s32 $0x0  }
0x31: {  	[tilespmem:s28], [sflag:$0x3] =	stream.linear.gather [hbm4b:s13+s28], $0x1400, $0x38;
	[tilespmem:$0x1E800] =	vst v63  }
0x32: {  	_ =	swait.ge [sflag:s18], $0x1400  }
0x33: {  	[sflag:s18] =	ssyncset.done $0x0  }
0x34: {  	[sflag:s18] =	ssyncadd.s32 $0xFFFFEC00  }
0x35: {  	[tilespmem:s19], [sflag:$0x3] =	stream.linear.gather [hbm4b:s14+s28], $0x1400, $0x38;
	[tilespmem:$0x1E800] =	vst v63  }
0x36: {  	_ =	swait.ge [sflag:s18], $0x1400  }
0x37: {  	[sflag:s18] =	ssyncset.done $0x0  }
0x38: {  	[sflag:s18] =	ssyncadd.s32 $0xFFFFEC00  }
0x39: {  	[tilespmem:s21], [sflag:$0x1] =	stream.indirect.gather [hbm4b:s4+s20], $0x80, s28, s20, $0xb8;
	[tilespmem:$0x1E800] =	vst v63  }
0x3a: {  	_ = 	snop  }
0x3b: {  	[tilespmem:s22], [sflag:$0x2] =	stream.indirect.gather [hbm4b:s4+s20], $0x80, s20, s20, $0xb8;
	[tilespmem:$0x1E800] =	vst v63  }
0x3c: {  	_ =	swait.ge [sflag:s23], $0x4000  }
0x3d: {  	[sflag:s23] =	ssyncset.done $0x0  }
0x3e: {  	s28 =	simm.s32 $0x1400;
	[sflag:s23] =	ssyncadd.s32 $0xFFFFC000  }
0x3f: {  	[spmem:s2] =	stream.indirect.scatter.add.f32 [tilespmem:s21], [sflag:$0x3], $0x80, s28, s20, $0xb8;
	[tilespmem:$0x1E800] =	vst v63  }
0x40: {  	_ =	swait.ge [sflag:s18], $0x4000  }
0x41: {  	[sflag:s18] =	ssyncset.done $0x0  }
0x42: {  	s28 =	simm.s32 $0x100;
	[sflag:s18] =	ssyncadd.s32 $0xFFFFC000  }
0x43: {  	[tilespmem:s21], [sflag:$0x1] =	stream.indirect.gather [hbm4b:s4+s20], $0x80, s28, s20, $0xb8;
	[tilespmem:$0x1E800] =	vst v63  }
0x44: {  	_ =	swait.ge [sflag:s24], $0x4000  }
0x45: {  	[sflag:s24] =	ssyncset.done $0x0  }
0x46: {  	s28 =	simm.s32 $0x1480;
	[sflag:s24] =	ssyncadd.s32 $0xFFFFC000  }
0x47: {  	[spmem:s2] =	stream.indirect.scatter.add.f32 [tilespmem:s22], [sflag:$0x3], $0x80, s28, s20, $0xb8;
	[tilespmem:$0x1E800] =	vst v63  }
0x48: {  	_ =	swait.ge [sflag:s18], $0x4000  }
0x49: {  	[sflag:s18] =	ssyncset.done $0x0  }
0x4a: {  	s29 =	simm.s32 $0x180;
	s28 =	simm.s32 $0x400;
	[sflag:s18] =	ssyncadd.s32 $0xFFFFC000  }
.LBB2_10:
0x4b: {  	[tilespmem:s22], [sflag:$0x2] =	stream.indirect.gather [hbm4b:s4+s20], $0x80, s29, s20, $0xb8;
	[tilespmem:$0x1E800] =	vst v63  }
0x4c: {  	s29 =	smov.u32 s28  }
0x4d: {  	p1 =	sne.s32 s28, $0x4800;
	s28 =	sadd.s32 $0x400, s28;
	_ =	swait.ge [sflag:s23], $0x4000  }
0x4e: {  	s29 =	sshra.s32 s29, $0x2;
	[sflag:s23] =	ssyncset.done $0x0  }
0x4f: {  	s30 =	sadd.s32 $0x1400, s29;
	[sflag:s23] =	ssyncadd.s32 $0xFFFFC000  }
0x50: {  	[spmem:s2] =	stream.indirect.scatter.add.f32 [tilespmem:s21], [sflag:$0x3], $0x80, s30, s20, $0xb8;
	[tilespmem:$0x1E800] =	vst v63  }
0x51: {  	_ =	swait.ge [sflag:s18], $0x4000  }
0x52: {  	[sflag:s18] =	ssyncset.done $0x0  }
0x53: {  	s30 =	sadd.s32 $0x100, s29;
	[sflag:s18] =	ssyncadd.s32 $0xFFFFC000  }
0x54: {  	[tilespmem:s21], [sflag:$0x1] =	stream.indirect.gather [hbm4b:s4+s20], $0x80, s30, s20, $0xb8;
	[tilespmem:$0x1E800] =	vst v63  }
0x55: {  	_ =	swait.ge [sflag:s24], $0x4000  }
0x56: {  	[sflag:s24] =	ssyncset.done $0x0  }
.Ltmp3:
0x57: {  	s30 =	sadd.s32 $0x1480, s29;
	[sflag:s24] =	ssyncadd.s32 $0xFFFFC000;
	(pc) =	sbr.rel @p1 .LBB2_10-.Ltmp3, $4  }
0x58: {  	[spmem:s2] =	stream.indirect.scatter.add.f32 [tilespmem:s22], [sflag:$0x3], $0x80, s30, s20, $0xb8;
	[tilespmem:$0x1E800] =	vst v63  }
0x59: {  	_ =	swait.ge [sflag:s18], $0x4000  }
0x5a: {  	[sflag:s18] =	ssyncset.done $0x0  }
0x5b: {  	s29 =	sadd.s32 $0x180, s29;
	[sflag:s18] =	ssyncadd.s32 $0xFFFFC000  }
.Ltmp4:
0x5c: {  	_ = 	snop;
	(pc) =	sbr.rel .LBB2_11-.Ltmp4, $1  }
0x5d: {  	_ =	sdelay $0x3  }
.LBB2_2:
0x5e: {  	[tilespmem:s28], [sflag:$0x3] =	stream.linear.gather [hbm4b:s7+s28], $0x1400, $0x38;
	[tilespmem:$0x1E800] =	vst v63  }
0x5f: {  	_ =	swait.ge [sflag:s18], $0x1400  }
0x60: {  	[sflag:s18] =	ssyncset.done $0x0  }
0x61: {  	[sflag:s18] =	ssyncadd.s32 $0xFFFFEC00  }
0x62: {  	[tilespmem:s19], [sflag:$0x3] =	stream.linear.gather [hbm4b:s8+s28], $0x1400, $0x38;
	[tilespmem:$0x1E800] =	vst v63  }
0x63: {  	_ =	swait.ge [sflag:s18], $0x1400  }
0x64: {  	[sflag:s18] =	ssyncset.done $0x0  }
0x65: {  	[sflag:s18] =	ssyncadd.s32 $0xFFFFEC00  }
0x66: {  	[tilespmem:s21], [sflag:$0x1] =	stream.indirect.gather [hbm4b:s4+s20], $0x80, s28, s20, $0xb8;
	[tilespmem:$0x1E800] =	vst v63  }
0x67: {  	_ = 	snop  }
0x68: {  	[tilespmem:s22], [sflag:$0x2] =	stream.indirect.gather [hbm4b:s4+s20], $0x80, s20, s20, $0xb8;
	[tilespmem:$0x1E800] =	vst v63  }
0x69: {  	_ =	swait.ge [sflag:s23], $0x4000  }
0x6a: {  	[sflag:s23] =	ssyncset.done $0x0  }
0x6b: {  	s28 =	simm.s32 $0x1400;
	[sflag:s23] =	ssyncadd.s32 $0xFFFFC000  }
0x6c: {  	[spmem:s2] =	stream.indirect.scatter.add.f32 [tilespmem:s21], [sflag:$0x3], $0x80, s28, s20, $0xb8;
	[tilespmem:$0x1E800] =	vst v63  }
0x6d: {  	_ =	swait.ge [sflag:s18], $0x4000  }
0x6e: {  	[sflag:s18] =	ssyncset.done $0x0  }
0x6f: {  	s28 =	simm.s32 $0x100;
	[sflag:s18] =	ssyncadd.s32 $0xFFFFC000  }
0x70: {  	[tilespmem:s21], [sflag:$0x1] =	stream.indirect.gather [hbm4b:s4+s20], $0x80, s28, s20, $0xb8;
	[tilespmem:$0x1E800] =	vst v63  }
0x71: {  	_ =	swait.ge [sflag:s24], $0x4000  }
0x72: {  	[sflag:s24] =	ssyncset.done $0x0  }
0x73: {  	s28 =	simm.s32 $0x1480;
	[sflag:s24] =	ssyncadd.s32 $0xFFFFC000  }
0x74: {  	[spmem:s2] =	stream.indirect.scatter.add.f32 [tilespmem:s22], [sflag:$0x3], $0x80, s28, s20, $0xb8;
	[tilespmem:$0x1E800] =	vst v63  }
0x75: {  	_ =	swait.ge [sflag:s18], $0x4000  }
0x76: {  	[sflag:s18] =	ssyncset.done $0x0  }
0x77: {  	s29 =	simm.s32 $0x180;
	s28 =	simm.s32 $0x400;
	[sflag:s18] =	ssyncadd.s32 $0xFFFFC000  }
.LBB2_3:
0x78: {  	[tilespmem:s22], [sflag:$0x2] =	stream.indirect.gather [hbm4b:s4+s20], $0x80, s29, s20, $0xb8;
	[tilespmem:$0x1E800] =	vst v63  }
0x79: {  	s29 =	smov.u32 s28  }
0x7a: {  	p1 =	sne.s32 s28, $0x4800;
	s28 =	sadd.s32 $0x400, s28;
	_ =	swait.ge [sflag:s23], $0x4000  }
0x7b: {  	s29 =	sshra.s32 s29, $0x2;
	[sflag:s23] =	ssyncset.done $0x0  }
0x7c: {  	s30 =	sadd.s32 $0x1400, s29;
	[sflag:s23] =	ssyncadd.s32 $0xFFFFC000  }
0x7d: {  	[spmem:s2] =	stream.indirect.scatter.add.f32 [tilespmem:s21], [sflag:$0x3], $0x80, s30, s20, $0xb8;
	[tilespmem:$0x1E800] =	vst v63  }
0x7e: {  	_ =	swait.ge [sflag:s18], $0x4000  }
0x7f: {  	[sflag:s18] =	ssyncset.done $0x0  }
0x80: {  	s30 =	sadd.s32 $0x100, s29;
	[sflag:s18] =	ssyncadd.s32 $0xFFFFC000  }
0x81: {  	[tilespmem:s21], [sflag:$0x1] =	stream.indirect.gather [hbm4b:s4+s20], $0x80, s30, s20, $0xb8;
	[tilespmem:$0x1E800] =	vst v63  }
0x82: {  	_ =	swait.ge [sflag:s24], $0x4000  }
0x83: {  	[sflag:s24] =	ssyncset.done $0x0  }
.Ltmp5:
0x84: {  	s30 =	sadd.s32 $0x1480, s29;
	[sflag:s24] =	ssyncadd.s32 $0xFFFFC000;
	(pc) =	sbr.rel @p1 .LBB2_3-.Ltmp5, $4  }
0x85: {  	[spmem:s2] =	stream.indirect.scatter.add.f32 [tilespmem:s22], [sflag:$0x3], $0x80, s30, s20, $0xb8;
	[tilespmem:$0x1E800] =	vst v63  }
0x86: {  	_ =	swait.ge [sflag:s18], $0x4000  }
0x87: {  	[sflag:s18] =	ssyncset.done $0x0  }
0x88: {  	s29 =	sadd.s32 $0x180, s29;
	[sflag:s18] =	ssyncadd.s32 $0xFFFFC000  }
0x89: {  	[tilespmem:s22], [sflag:$0x2] =	stream.indirect.gather [hbm4b:s4+s20], $0x80, s29, s20, $0xb8;
	[tilespmem:$0x1E800] =	vst v63  }
0x8a: {  	_ =	swait.ge [sflag:s23], $0x4000  }
0x8b: {  	[sflag:s23] =	ssyncset.done $0x0  }
0x8c: {  	[sflag:s23] =	ssyncadd.s32 $0xFFFFC000  }
0x8d: {  	[spmem:s2] =	stream.indirect.scatter.add.f32 [tilespmem:s21], [sflag:$0x3], $0x80, s25, s20, $0xb8;
	[tilespmem:$0x1E800] =	vst v63  }
0x8e: {  	_ =	swait.ge [sflag:s18], $0x4000  }
0x8f: {  	[sflag:s18] =	ssyncset.done $0x0  }
0x90: {  	[sflag:s18] =	ssyncadd.s32 $0xFFFFC000  }
0x91: {  	_ =	swait.ge [sflag:s24], $0x4000  }
0x92: {  	[sflag:s24] =	ssyncset.done $0x0  }
0x93: {  	[sflag:s24] =	ssyncadd.s32 $0xFFFFC000  }
0x94: {  	[spmem:s2] =	stream.indirect.scatter.add.f32 [tilespmem:s22], [sflag:$0x3], $0x80, s26, s20, $0xb8;
	[tilespmem:$0x1E800] =	vst v63  }
0x95: {  	_ =	swait.ge [sflag:s18], $0x4000  }
0x96: {  	[sflag:s18] =	ssyncset.done $0x0  }
0x97: {  	s28 =	simm.s32 $0x0;
	[sflag:s18] =	ssyncadd.s32 $0xFFFFC000  }
0x98: {  	[tilespmem:s28], [sflag:$0x3] =	stream.linear.gather [hbm4b:s9+s28], $0x1400, $0x38;
	[tilespmem:$0x1E800] =	vst v63  }
0x99: {  	_ =	swait.ge [sflag:s18], $0x1400  }
0x9a: {  	[sflag:s18] =	ssyncset.done $0x0  }
0x9b: {  	[sflag:s18] =	ssyncadd.s32 $0xFFFFEC00  }
0x9c: {  	[tilespmem:s19], [sflag:$0x3] =	stream.linear.gather [hbm4b:s10+s28], $0x1400, $0x38;
	[tilespmem:$0x1E800] =	vst v63  }
0x9d: {  	_ =	swait.ge [sflag:s18], $0x1400  }
0x9e: {  	[sflag:s18] =	ssyncset.done $0x0  }
0x9f: {  	[sflag:s18] =	ssyncadd.s32 $0xFFFFEC00  }
0xa0: {  	[tilespmem:s21], [sflag:$0x1] =	stream.indirect.gather [hbm4b:s4+s20], $0x80, s28, s20, $0xb8;
	[tilespmem:$0x1E800] =	vst v63  }
0xa1: {  	_ = 	snop  }
0xa2: {  	[tilespmem:s22], [sflag:$0x2] =	stream.indirect.gather [hbm4b:s4+s20], $0x80, s20, s20, $0xb8;
	[tilespmem:$0x1E800] =	vst v63  }
0xa3: {  	_ =	swait.ge [sflag:s23], $0x4000  }
0xa4: {  	[sflag:s23] =	ssyncset.done $0x0  }
0xa5: {  	s28 =	simm.s32 $0x1400;
	[sflag:s23] =	ssyncadd.s32 $0xFFFFC000  }
0xa6: {  	[spmem:s2] =	stream.indirect.scatter.add.f32 [tilespmem:s21], [sflag:$0x3], $0x80, s28, s20, $0xb8;
	[tilespmem:$0x1E800] =	vst v63  }
0xa7: {  	_ =	swait.ge [sflag:s18], $0x4000  }
0xa8: {  	[sflag:s18] =	ssyncset.done $0x0  }
0xa9: {  	s28 =	simm.s32 $0x100;
	[sflag:s18] =	ssyncadd.s32 $0xFFFFC000  }
0xaa: {  	[tilespmem:s21], [sflag:$0x1] =	stream.indirect.gather [hbm4b:s4+s20], $0x80, s28, s20, $0xb8;
	[tilespmem:$0x1E800] =	vst v63  }
0xab: {  	_ =	swait.ge [sflag:s24], $0x4000  }
0xac: {  	[sflag:s24] =	ssyncset.done $0x0  }
0xad: {  	s28 =	simm.s32 $0x1480;
	[sflag:s24] =	ssyncadd.s32 $0xFFFFC000  }
0xae: {  	[spmem:s2] =	stream.indirect.scatter.add.f32 [tilespmem:s22], [sflag:$0x3], $0x80, s28, s20, $0xb8;
	[tilespmem:$0x1E800] =	vst v63  }
0xaf: {  	_ =	swait.ge [sflag:s18], $0x4000  }
0xb0: {  	[sflag:s18] =	ssyncset.done $0x0  }
0xb1: {  	s29 =	simm.s32 $0x180;
	s28 =	simm.s32 $0x400;
	[sflag:s18] =	ssyncadd.s32 $0xFFFFC000  }
.LBB2_5:
0xb2: {  	[tilespmem:s22], [sflag:$0x2] =	stream.indirect.gather [hbm4b:s4+s20], $0x80, s29, s20, $0xb8;
	[tilespmem:$0x1E800] =	vst v63  }
0xb3: {  	s29 =	smov.u32 s28  }
0xb4: {  	p1 =	sne.s32 s28, $0x4800;
	s28 =	sadd.s32 $0x400, s28;
	_ =	swait.ge [sflag:s23], $0x4000  }
0xb5: {  	s29 =	sshra.s32 s29, $0x2;
	[sflag:s23] =	ssyncset.done $0x0  }
0xb6: {  	s30 =	sadd.s32 $0x1400, s29;
	[sflag:s23] =	ssyncadd.s32 $0xFFFFC000  }
0xb7: {  	[spmem:s2] =	stream.indirect.scatter.add.f32 [tilespmem:s21], [sflag:$0x3], $0x80, s30, s20, $0xb8;
	[tilespmem:$0x1E800] =	vst v63  }
0xb8: {  	_ =	swait.ge [sflag:s18], $0x4000  }
0xb9: {  	[sflag:s18] =	ssyncset.done $0x0  }
0xba: {  	s30 =	sadd.s32 $0x100, s29;
	[sflag:s18] =	ssyncadd.s32 $0xFFFFC000  }
0xbb: {  	[tilespmem:s21], [sflag:$0x1] =	stream.indirect.gather [hbm4b:s4+s20], $0x80, s30, s20, $0xb8;
	[tilespmem:$0x1E800] =	vst v63  }
0xbc: {  	_ =	swait.ge [sflag:s24], $0x4000  }
0xbd: {  	[sflag:s24] =	ssyncset.done $0x0  }
.Ltmp6:
0xbe: {  	s30 =	sadd.s32 $0x1480, s29;
	[sflag:s24] =	ssyncadd.s32 $0xFFFFC000;
	(pc) =	sbr.rel @p1 .LBB2_5-.Ltmp6, $4  }
0xbf: {  	[spmem:s2] =	stream.indirect.scatter.add.f32 [tilespmem:s22], [sflag:$0x3], $0x80, s30, s20, $0xb8;
	[tilespmem:$0x1E800] =	vst v63  }
0xc0: {  	_ =	swait.ge [sflag:s18], $0x4000  }
0xc1: {  	[sflag:s18] =	ssyncset.done $0x0  }
0xc2: {  	s29 =	sadd.s32 $0x180, s29;
	[sflag:s18] =	ssyncadd.s32 $0xFFFFC000  }
0xc3: {  	[tilespmem:s22], [sflag:$0x2] =	stream.indirect.gather [hbm4b:s4+s20], $0x80, s29, s20, $0xb8;
	[tilespmem:$0x1E800] =	vst v63  }
0xc4: {  	_ =	swait.ge [sflag:s23], $0x4000  }
0xc5: {  	[sflag:s23] =	ssyncset.done $0x0  }
0xc6: {  	[sflag:s23] =	ssyncadd.s32 $0xFFFFC000  }
0xc7: {  	[spmem:s2] =	stream.indirect.scatter.add.f32 [tilespmem:s21], [sflag:$0x3], $0x80, s25, s20, $0xb8;
	[tilespmem:$0x1E800] =	vst v63  }
0xc8: {  	_ =	swait.ge [sflag:s18], $0x4000  }
0xc9: {  	[sflag:s18] =	ssyncset.done $0x0  }
0xca: {  	[sflag:s18] =	ssyncadd.s32 $0xFFFFC000  }
0xcb: {  	_ =	swait.ge [sflag:s24], $0x4000  }
0xcc: {  	[sflag:s24] =	ssyncset.done $0x0  }
0xcd: {  	[sflag:s24] =	ssyncadd.s32 $0xFFFFC000  }
0xce: {  	[spmem:s2] =	stream.indirect.scatter.add.f32 [tilespmem:s22], [sflag:$0x3], $0x80, s26, s20, $0xb8;
	[tilespmem:$0x1E800] =	vst v63  }
0xcf: {  	_ =	swait.ge [sflag:s18], $0x4000  }
0xd0: {  	[sflag:s18] =	ssyncset.done $0x0  }
0xd1: {  	s28 =	simm.s32 $0x0;
	[sflag:s18] =	ssyncadd.s32 $0xFFFFC000  }
0xd2: {  	[tilespmem:s28], [sflag:$0x3] =	stream.linear.gather [hbm4b:s11+s28], $0x1400, $0x38;
	[tilespmem:$0x1E800] =	vst v63  }
0xd3: {  	_ =	swait.ge [sflag:s18], $0x1400  }
0xd4: {  	[sflag:s18] =	ssyncset.done $0x0  }
0xd5: {  	[sflag:s18] =	ssyncadd.s32 $0xFFFFEC00  }
0xd6: {  	[tilespmem:s19], [sflag:$0x3] =	stream.linear.gather [hbm4b:s12+s28], $0x1400, $0x38;
	[tilespmem:$0x1E800] =	vst v63  }
0xd7: {  	_ =	swait.ge [sflag:s18], $0x1400  }
0xd8: {  	[sflag:s18] =	ssyncset.done $0x0  }
0xd9: {  	[sflag:s18] =	ssyncadd.s32 $0xFFFFEC00  }
0xda: {  	[tilespmem:s21], [sflag:$0x1] =	stream.indirect.gather [hbm4b:s4+s20], $0x80, s28, s20, $0xb8;
	[tilespmem:$0x1E800] =	vst v63  }
0xdb: {  	_ = 	snop  }
0xdc: {  	[tilespmem:s22], [sflag:$0x2] =	stream.indirect.gather [hbm4b:s4+s20], $0x80, s20, s20, $0xb8;
	[tilespmem:$0x1E800] =	vst v63  }
0xdd: {  	_ =	swait.ge [sflag:s23], $0x4000  }
0xde: {  	[sflag:s23] =	ssyncset.done $0x0  }
0xdf: {  	s28 =	simm.s32 $0x1400;
	[sflag:s23] =	ssyncadd.s32 $0xFFFFC000  }
0xe0: {  	[spmem:s2] =	stream.indirect.scatter.add.f32 [tilespmem:s21], [sflag:$0x3], $0x80, s28, s20, $0xb8;
	[tilespmem:$0x1E800] =	vst v63  }
0xe1: {  	_ =	swait.ge [sflag:s18], $0x4000  }
0xe2: {  	[sflag:s18] =	ssyncset.done $0x0  }
0xe3: {  	s28 =	simm.s32 $0x100;
	[sflag:s18] =	ssyncadd.s32 $0xFFFFC000  }
0xe4: {  	[tilespmem:s21], [sflag:$0x1] =	stream.indirect.gather [hbm4b:s4+s20], $0x80, s28, s20, $0xb8;
	[tilespmem:$0x1E800] =	vst v63  }
0xe5: {  	_ =	swait.ge [sflag:s24], $0x4000  }
0xe6: {  	[sflag:s24] =	ssyncset.done $0x0  }
0xe7: {  	s28 =	simm.s32 $0x1480;
	[sflag:s24] =	ssyncadd.s32 $0xFFFFC000  }
0xe8: {  	[spmem:s2] =	stream.indirect.scatter.add.f32 [tilespmem:s22], [sflag:$0x3], $0x80, s28, s20, $0xb8;
	[tilespmem:$0x1E800] =	vst v63  }
0xe9: {  	_ =	swait.ge [sflag:s18], $0x4000  }
0xea: {  	[sflag:s18] =	ssyncset.done $0x0  }
0xeb: {  	s29 =	simm.s32 $0x180;
	s28 =	simm.s32 $0x400;
	[sflag:s18] =	ssyncadd.s32 $0xFFFFC000  }
.LBB2_7:
0xec: {  	[tilespmem:s22], [sflag:$0x2] =	stream.indirect.gather [hbm4b:s4+s20], $0x80, s29, s20, $0xb8;
	[tilespmem:$0x1E800] =	vst v63  }
0xed: {  	s29 =	smov.u32 s28  }
0xee: {  	p1 =	seq.s32 s28, $0x4800;
	s28 =	sadd.s32 $0x400, s28;
	_ =	swait.ge [sflag:s23], $0x4000  }
0xef: {  	s29 =	sshra.s32 s29, $0x2;
	[sflag:s23] =	ssyncset.done $0x0  }
0xf0: {  	s30 =	sadd.s32 $0x1400, s29;
	[sflag:s23] =	ssyncadd.s32 $0xFFFFC000  }
0xf1: {  	[spmem:s2] =	stream.indirect.scatter.add.f32 [tilespmem:s21], [sflag:$0x3], $0x80, s30, s20, $0xb8;
	[tilespmem:$0x1E800] =	vst v63  }
0xf2: {  	_ =	swait.ge [sflag:s18], $0x4000  }
0xf3: {  	[sflag:s18] =	ssyncset.done $0x0  }
0xf4: {  	s30 =	sadd.s32 $0x100, s29;
	[sflag:s18] =	ssyncadd.s32 $0xFFFFC000  }
0xf5: {  	[tilespmem:s21], [sflag:$0x1] =	stream.indirect.gather [hbm4b:s4+s20], $0x80, s30, s20, $0xb8;
	[tilespmem:$0x1E800] =	vst v63  }
0xf6: {  	_ =	swait.ge [sflag:s24], $0x4000  }
0xf7: {  	[sflag:s24] =	ssyncset.done $0x0  }
.Ltmp7:
0xf8: {  	s30 =	sadd.s32 $0x1480, s29;
	[sflag:s24] =	ssyncadd.s32 $0xFFFFC000;
	(pc) =	sbr.rel @!p1 .LBB2_7-.Ltmp7, $4  }
0xf9: {  	[spmem:s2] =	stream.indirect.scatter.add.f32 [tilespmem:s22], [sflag:$0x3], $0x80, s30, s20, $0xb8;
	[tilespmem:$0x1E800] =	vst v63  }
0xfa: {  	_ =	swait.ge [sflag:s18], $0x4000  }
0xfb: {  	[sflag:s18] =	ssyncset.done $0x0  }
0xfc: {  	s29 =	sadd.s32 $0x180, s29;
	[sflag:s18] =	ssyncadd.s32 $0xFFFFC000  }
.Ltmp8:
0xfd: {  	(pc) =	sbr.rel .LBB2_12-.Ltmp8, $2  }
0xfe: {  	_ =	sdelay $0x2  }
0xff: {  	[tilespmem:s22], [sflag:$0x2] =	stream.indirect.gather [hbm4b:s4+s20], $0x80, s29, s20, $0xb8;
	[tilespmem:$0x1E800] =	vst v63  }
.LBB2_13:
0x100: {  	_ =	sfence.sel $0x180000  }
0x101: {  	[bflag:$0x0] =	sbarrier.arrive $0xFFFF  }
0x102: {  	p0 =	sne.s32 s1, $0x0;
	_ =	strace $0x9000004A  }
0x103: {  	s0 =	sadd.s32 @!p0 $0x100000, s0;
	[bflag:$0x2] =	sbarrier.arrive $0xFFFF  }
0x104: {  	[sflag:s0] =	ssyncadd.tile.s32 @!p0 $0x1;
	_ =	shalt  }
.Lfunc_end2:
_tile_overlayer_lowered:
.L_overlay_start_2:
0x105: {  	(tag) =	ssettag $0x2  }
0x106: {  	s0 =	rddreg [dreg:$0x0];
	s2 =	stileid.u32  }
0x107: {  	s1 =	rddreg [dreg:$0x1];
	p0 =	sne.s32 s2, $0x0  }
0x108: {  	s3 =	rddreg [dreg:$0x2];
	[bflag:$0x3] =	sbarrier.arrive $0xFFFF;
	s2 =	simm.s32 @!p0 $0x1C03  }
0x109: {  	[timem:s3], [sflag:s2] =	dma.local @!p0 [hbm:s0], s1  }
0x10a: {  	s0 =	simm.s32 @!p0 $0x3  }
0x10b: {  	_ =	swait.ge @!p0 [sflag:s0], s1  }
0x10c: {  	s1 =	ssub.s32 @!p0 $0x0, s1;
	[sflag:s0] =	ssyncset.done @!p0 $0x0  }
0x10d: {  	[sflag:s0] =	ssyncadd.s32 @!p0 s1  }
0x10e: {  	[bflag:$0x3] =	sbarrier.arrive $0xFFFF  }
0x10f: {  	_ =	shalt  }

</sc_bundles>
